<compile_context>
chip_gen: v7x
topology: tpu7x:2x2x1
jax: 0.10.2.dev20260603
libtpu: 0.0.44.dev20260713+nightly
codegen_flags: <defaults>
</compile_context>

<pallas_src>
import functools

import jax
import jax.numpy as jnp
from jax import lax
from jax.experimental import pallas as pl
from jax.experimental.pallas import tpu as pltpu
from jax.experimental.pallas import tpu_sc as plsc

N = 10000
E = 320000
D = 128
NC = 2
NS = 16
NW = NC * NS
B = 125
NBT = 80
EPT = NBT * B
ACC_N = 10240
ROWS_PT = ACC_N // NS

_mesh = plsc.VectorSubcoreMesh(core_axis_name="c", subcore_axis_name="s")


@functools.partial(
    pl.kernel,
    out_type=jax.ShapeDtypeStruct((NC, ACC_N), jnp.float32),
    mesh=_mesh,
    scratch_types=[
        pltpu.VMEM((NBT, B), jnp.int32),
        pltpu.VMEM((B,), jnp.float32),
        pltpu.VMEM_SHARED((ACC_N,), jnp.float32),
        pltpu.SemaphoreType.DMA,
    ],
)
def _deg_call(dst2_hbm, ones_hbm, z_hbm, out_hbm, dstv, onesb, dacc, sem):
    c = lax.axis_index("c")
    s = lax.axis_index("s")
    wid = c * NS + s
    pltpu.sync_copy(dst2_hbm.at[pl.ds(wid * NBT, NBT)], dstv)
    pltpu.sync_copy(ones_hbm, onesb)
    pltpu.sync_copy(z_hbm, dacc.at[pl.ds(s * ROWS_PT, ROWS_PT)])
    plsc.subcore_barrier()

    def fire(j, carry):
        pltpu.async_copy(onesb, dacc.at[dstv.at[j]], sem, add=True)
        return carry

    lax.fori_loop(0, NBT, fire, 0)

    def drain(j, carry):
        pltpu.make_async_copy(onesb, dacc.at[dstv.at[j]], sem).wait()
        return carry

    lax.fori_loop(0, NBT, drain, 0)
    plsc.subcore_barrier()
    pltpu.sync_copy(dacc.at[pl.ds(s * ROWS_PT, ROWS_PT)],
                    out_hbm.at[c, pl.ds(s * ROWS_PT, ROWS_PT)])


_R = 1024


def _hs_body(x_ref, w_ref, degp_ref, hs_ref):
    i = pl.program_id(0)
    deg = (degp_ref[0, pl.ds(i * _R, _R)] + degp_ref[1, pl.ds(i * _R, _R)]
           + 1.0)
    dis = lax.rsqrt(deg)
    h = jnp.dot(x_ref[...], w_ref[...], preferred_element_type=jnp.float32)
    hs_ref[...] = h * dis[:, None]


def _hs_call(x, W, degp):
    return pl.pallas_call(
        _hs_body,
        grid=(ACC_N // _R,),
        in_specs=[
            pl.BlockSpec((_R, D), lambda i: (i, 0)),
            pl.BlockSpec((D, D), lambda i: (0, 0)),
            pl.BlockSpec((NC, ACC_N), lambda i: (0, 0)),
        ],
        out_specs=pl.BlockSpec((_R, D), lambda i: (i, 0)),
        out_shape=jax.ShapeDtypeStruct((ACC_N, D), jnp.float32),
    )(x, W, degp)


@functools.partial(
    pl.kernel,
    out_type=jax.ShapeDtypeStruct((NC, ACC_N, D), jnp.float32),
    mesh=_mesh,
    scratch_types=[
        pltpu.VMEM((B, D), jnp.float32),
        pltpu.VMEM((B, D), jnp.float32),
        pltpu.VMEM((NBT, B), jnp.int32),
        pltpu.VMEM((2, B), jnp.int32),
        pltpu.VMEM_SHARED((ACC_N, D), jnp.float32),
        pltpu.SemaphoreType.DMA,
        pltpu.SemaphoreType.DMA,
        pltpu.SemaphoreType.DMA,
        pltpu.SemaphoreType.DMA,
    ],
)
def _agg_call(hs_hbm, src_hbm, dst_hbm, z_hbm, out_hbm,
              buf0, buf1, srcv, dstr, acc, g0, g1, d0, d1):
    c = lax.axis_index("c")
    s = lax.axis_index("s")
    wid = c * NS + s
    row0 = wid * NBT
    pltpu.sync_copy(src_hbm.at[pl.ds(row0, NBT)], srcv)
    pltpu.sync_copy(z_hbm, acc.at[pl.ds(s * ROWS_PT, ROWS_PT)])
    plsc.subcore_barrier()

    dsems = (d0, d1)
    gsems = (g0, g1)
    bufs = (buf0, buf1)

    def _dfetch(j, slot):
        pltpu.async_copy(dst_hbm.at[row0 + j, 0], dstr.at[slot], dsems[slot])

    def _dwait(j, slot):
        pltpu.make_async_copy(dst_hbm.at[row0 + j, 0], dstr.at[slot],
                              dsems[slot]).wait()

    def _scatter(slot):
        pltpu.sync_copy(bufs[slot], acc.at[dstr.at[slot]], add=True)

    def _gstart(j, slot):
        pltpu.async_copy(hs_hbm.at[srcv.at[j]], bufs[slot], gsems[slot])

    def _gwait(j, slot):
        pltpu.make_async_copy(hs_hbm.at[srcv.at[j]], bufs[slot],
                              gsems[slot]).wait()

    _dfetch(0, 0)
    _gstart(0, 0)
    _dfetch(1, 1)
    _gstart(1, 1)

    def body(jj, carry):
        j0 = jj * 2
        for slot in (0, 1):
            j = j0 + slot
            _gwait(j, slot)
            _dwait(j, slot)
            _scatter(slot)

            @pl.when(j + 2 < NBT)
            def _():
                _dfetch(j + 2, slot)
                _gstart(j + 2, slot)

        return carry

    lax.fori_loop(0, NBT // 2, body, 0)
    plsc.subcore_barrier()
    pltpu.sync_copy(acc.at[pl.ds(s * ROWS_PT, ROWS_PT)],
                    out_hbm.at[c, pl.ds(s * ROWS_PT, ROWS_PT)])


def _final_body(acc_ref, hs_ref, degp_ref, b_ref, out_ref):
    i = pl.program_id(0)
    deg = (degp_ref[0, pl.ds(i * _R, _R)] + degp_ref[1, pl.ds(i * _R, _R)]
           + 1.0)
    dis = lax.rsqrt(deg)
    a = acc_ref[0] + acc_ref[1] + hs_ref[...]
    o = a * dis[:, None] + b_ref[...]
    m = jnp.max(o, axis=1, keepdims=True)
    lse = jnp.log(jnp.sum(jnp.exp(o - m), axis=1, keepdims=True)) + m
    out_ref[...] = o - lse


def _final_call(acc, hs, degp, b2):
    return pl.pallas_call(
        _final_body,
        grid=(ACC_N // _R,),
        in_specs=[
            pl.BlockSpec((NC, _R, D), lambda i: (0, i, 0)),
            pl.BlockSpec((_R, D), lambda i: (i, 0)),
            pl.BlockSpec((NC, ACC_N), lambda i: (0, 0)),
            pl.BlockSpec((1, D), lambda i: (0, 0)),
        ],
        out_specs=pl.BlockSpec((_R, D), lambda i: (i, 0)),
        out_shape=jax.ShapeDtypeStruct((ACC_N, D), jnp.float32),
    )(acc, hs, degp, b2)


def kernel(x, edge_index, W, b):
    x_p = jnp.concatenate(
        [x, jnp.zeros((ACC_N - N, D), jnp.float32)], axis=0)
    src2 = edge_index[0].reshape(E // B, B)
    dst2 = edge_index[1].reshape(E // B, B)
    dst3 = edge_index[1].reshape(E // B, 1, B)
    degp = _deg_call(dst2,
                     jnp.ones((B,), jnp.float32),
                     jnp.zeros((ROWS_PT,), jnp.float32))
    hs = _hs_call(x_p, W, degp)
    acc = _agg_call(hs, src2, dst3,
                    jnp.zeros((ROWS_PT, D), jnp.float32))
    return _final_call(acc, hs, degp, b.reshape(1, D))[:N]

# --- scband reference (transcript-rebuilt; emitter-appended) ---
"""Pipeline reference for scband-cls-29841432773289 (READ-ONLY COPY).

The authoritative reference and input builder live on the scoring server;
editing this copy changes nothing except your own understanding.
"""

import jax, jax.numpy as jnp
import numpy as np

N = 10000
E = 320000
D_IN = 128
D_OUT = 128


def setup_inputs(seed: int = 0) -> dict:
    key = jax.random.key(seed)
    k1, k2, k3 = jax.random.split(key, 3)
    x = jax.random.normal(k1, (N, D_IN), dtype=jnp.float32)
    edge_index = jax.random.randint(k2, (2, E), 0, N, dtype=jnp.int32)
    # GCNConv linear weight (glorot-style scale) and bias
    W = jax.random.normal(k3, (D_IN, D_OUT), dtype=jnp.float32) * (1.0 / np.sqrt(D_IN))
    b = jnp.zeros((D_OUT,), dtype=jnp.float32)
    return {"x": x, "edge_index": edge_index, "W": W, "b": b}


def gcn_forward(x, W, b, edge_index):
    n = x.shape[0]
    # add self-loops (PyG GCNConv default add_self_loops=True)
    loop = jnp.arange(n, dtype=edge_index.dtype)
    src = jnp.concatenate([edge_index[0], loop])
    dst = jnp.concatenate([edge_index[1], loop])
    # symmetric normalization D^-1/2 (A+I) D^-1/2
    deg = jnp.zeros((n,), dtype=x.dtype).at[dst].add(1.0)
    deg_inv_sqrt = jnp.where(deg > 0, 1.0 / jnp.sqrt(deg), 0.0)
    norm = deg_inv_sqrt[src] * deg_inv_sqrt[dst]
    # linear transform
    h = x @ W
    # gather messages from source nodes, scale, scatter-add into dst nodes
    msg = h[src] * norm[:, None]
    out = jnp.zeros((n, W.shape[1]), dtype=x.dtype).at[dst].add(msg)
    out = out + b
    # log_softmax over feature dim
    return out - jax.scipy.special.logsumexp(out, axis=1, keepdims=True)


def reference(x, edge_index, W, b):
    return gcn_forward(x, W, b, edge_index)

if __name__ == "__main__":
    import jax
    _d = setup_inputs()
    print(jax.jit(kernel)(*tuple(_d.values())))

</pallas_src>

<mosaic_0001>
#map = affine_map<(d0, d1) -> (0, 0)>
#map1 = affine_map<(d0, d1) -> (0)>
module attributes {stable_mosaic.version = 14 : i64} {
  func.func @_deg_call(%arg0: i32, %arg1: i32, %arg2: memref<2560x125xi32, #tpu.memory_space<hbm>>, %arg3: memref<125xf32, #tpu.memory_space<hbm>>, %arg4: memref<640xf32, #tpu.memory_space<hbm>>, %arg5: memref<2x10240xf32, #tpu.memory_space<hbm>>, %arg6: memref<80x125xi32, #tpu.memory_space<vmem>>, %arg7: memref<125xf32, #tpu.memory_space<vmem>>, %arg8: memref<10240xf32, #tpu.memory_space<vmem_shared>>, %arg9: memref<!tpu.dma_semaphore, #tpu.memory_space<semaphore_mem>>) attributes {dimension_semantics = [#tpu.dimension_semantics<core_parallel>, #tpu.dimension_semantics<subcore_parallel>], iteration_bounds = array<i64: 2, 16>, scalar_prefetch = 0 : i64, scratch_operands = 4 : i64, tpu.core_type = #tpu.core_type<sc_vector_subcore>, window_params = [{transform_indices = #map}, {transform_indices = #map1}, {transform_indices = #map1}, {transform_indices = #map}]} {
    %mul3A = arith.constant 16 : i32
    %mul3A_0 = arith.muli %arg0, %mul3A : i32
    %add3A = arith.addi %mul3A_0, %arg1 : i32
    %mul3A_1 = arith.constant 80 : i32
    %mul3A_2 = arith.muli %add3A, %mul3A_1 : i32
    "tpu.region"() ({
      %run_scoped3A = tpu.sem_alloc : memref<!tpu.dma_semaphore, #tpu.memory_space<semaphore_mem>>
      %dma_start3A = arith.constant 0 : i32
      %dma_start3A_21 = tpu.memref_slice %arg2[%mul3A_2, %dma_start3A] : memref<2560x125xi32, #tpu.memory_space<hbm>> -> memref<80x125xi32, #tpu.memory_space<hbm>>
      %dma_start3A_22 = arith.constant 0 : i32
      %dma_start3A_23 = tpu.memref_slice %arg2[%mul3A_2, %dma_start3A_22] : memref<2560x125xi32, #tpu.memory_space<hbm>> -> memref<80x125xi32, #tpu.memory_space<hbm>>
      tpu.enqueue_dma source(%dma_start3A_23 : memref<80x125xi32, #tpu.memory_space<hbm>>) target(%arg6 : memref<80x125xi32, #tpu.memory_space<vmem>>) target_semaphore(%run_scoped3A : memref<!tpu.dma_semaphore, #tpu.memory_space<semaphore_mem>>)
      %dma_wait3A = arith.constant 0 : i32
      %dma_wait3A_24 = tpu.memref_slice %arg2[%mul3A_2, %dma_wait3A] : memref<2560x125xi32, #tpu.memory_space<hbm>> -> memref<80x125xi32, #tpu.memory_space<hbm>>
      %dma_wait3A_25 = arith.constant 0 : i32
      %dma_wait3A_26 = tpu.memref_slice %arg2[%mul3A_2, %dma_wait3A_25] : memref<2560x125xi32, #tpu.memory_space<hbm>> -> memref<80x125xi32, #tpu.memory_space<hbm>>
      tpu.wait_dma2 semaphore(%run_scoped3A : memref<!tpu.dma_semaphore, #tpu.memory_space<semaphore_mem>>) src(%dma_wait3A_26 : memref<80x125xi32, #tpu.memory_space<hbm>>) dst(%arg6 : memref<80x125xi32, #tpu.memory_space<vmem>>)
      tpu.yield
    }) : () -> ()
    "tpu.region"() ({
      %run_scoped3A = tpu.sem_alloc : memref<!tpu.dma_semaphore, #tpu.memory_space<semaphore_mem>>
      tpu.enqueue_dma source(%arg3 : memref<125xf32, #tpu.memory_space<hbm>>) target(%arg7 : memref<125xf32, #tpu.memory_space<vmem>>) target_semaphore(%run_scoped3A : memref<!tpu.dma_semaphore, #tpu.memory_space<semaphore_mem>>)
      tpu.wait_dma2 semaphore(%run_scoped3A : memref<!tpu.dma_semaphore, #tpu.memory_space<semaphore_mem>>) src(%arg3 : memref<125xf32, #tpu.memory_space<hbm>>) dst(%arg7 : memref<125xf32, #tpu.memory_space<vmem>>)
      tpu.yield
    }) : () -> ()
    %mul3A_3 = arith.constant 640 : i32
    %mul3A_4 = arith.muli %arg1, %mul3A_3 : i32
    "tpu.region"() ({
      %run_scoped3A = tpu.sem_alloc : memref<!tpu.dma_semaphore, #tpu.memory_space<semaphore_mem>>
      %dma_start3A = tpu.memref_slice %arg8[%mul3A_4] : memref<10240xf32, #tpu.memory_space<vmem_shared>> -> memref<640xf32, #tpu.memory_space<vmem_shared>>
      tpu.enqueue_dma source(%arg4 : memref<640xf32, #tpu.memory_space<hbm>>) target(%dma_start3A : memref<640xf32, #tpu.memory_space<vmem_shared>>) target_semaphore(%run_scoped3A : memref<!tpu.dma_semaphore, #tpu.memory_space<semaphore_mem>>)
      %dma_wait3A = tpu.memref_slice %arg8[%mul3A_4] : memref<10240xf32, #tpu.memory_space<vmem_shared>> -> memref<640xf32, #tpu.memory_space<vmem_shared>>
      tpu.wait_dma2 semaphore(%run_scoped3A : memref<!tpu.dma_semaphore, #tpu.memory_space<semaphore_mem>>) src(%arg4 : memref<640xf32, #tpu.memory_space<hbm>>) dst(%dma_wait3A : memref<640xf32, #tpu.memory_space<vmem_shared>>)
      tpu.yield
    }) : () -> ()
    %barrier3A = arith.constant 0 : index
    tpu.barrier barrier_id(%barrier3A)
    %scan3A = arith.constant 0 : i32
    %scan3A_5 = arith.constant 0 : i32
    %scan3A_6 = arith.constant 80 : i32
    %scan3A_7 = arith.addi %scan3A_5, %scan3A_6 : i32
    %scan3A_8 = arith.constant 1 : i32
    scf.for %scan3A_21 = %scan3A_5 to %scan3A_7 step %scan3A_8  : i32 {
      %dma_start3A = arith.constant 0 : i32
      %dma_start3A_22 = tpu.memref_slice %arg6[%scan3A_21, %dma_start3A] : memref<80x125xi32, #tpu.memory_space<vmem>> -> memref<1x125xi32, #tpu.memory_space<vmem>>
      %dma_start3A_23 = tpu.memref_squeeze %dma_start3A_22 : memref<1x125xi32, #tpu.memory_space<vmem>> -> memref<125xi32, #tpu.memory_space<vmem>>
      %dma_start3A_24 = arith.constant 0 : i32
      %dma_start3A_25 = tpu.memref_slice %arg8[%dma_start3A_24] : memref<10240xf32, #tpu.memory_space<vmem_shared>> -> memref<10240xf32, #tpu.memory_space<vmem_shared>>
      tpu.enqueue_indirect_dma source(%arg7 : memref<125xf32, #tpu.memory_space<vmem>>) target(%dma_start3A_25 : memref<10240xf32, #tpu.memory_space<vmem_shared>>) offsets(%dma_start3A_23 : memref<125xi32, #tpu.memory_space<vmem>>) semaphore(%arg9 : memref<!tpu.dma_semaphore, #tpu.memory_space<semaphore_mem>>) {add = true}
    }
    %scan3A_9 = arith.constant 80 : i32
    %scan3A_10 = arith.constant 0 : i32
    %scan3A_11 = arith.constant 0 : i32
    %scan3A_12 = arith.constant 80 : i32
    %scan3A_13 = arith.addi %scan3A_11, %scan3A_12 : i32
    %scan3A_14 = arith.constant 1 : i32
    scf.for %scan3A_21 = %scan3A_11 to %scan3A_13 step %scan3A_14  : i32 {
      %dma_wait3A = arith.constant 0 : i32
      %dma_wait3A_22 = tpu.memref_slice %arg6[%scan3A_21, %dma_wait3A] : memref<80x125xi32, #tpu.memory_space<vmem>> -> memref<1x125xi32, #tpu.memory_space<vmem>>
      %dma_wait3A_23 = tpu.memref_squeeze %dma_wait3A_22 : memref<1x125xi32, #tpu.memory_space<vmem>> -> memref<125xi32, #tpu.memory_space<vmem>>
      %dma_wait3A_24 = arith.constant 0 : i32
      %dma_wait3A_25 = tpu.memref_slice %arg8[%dma_wait3A_24] : memref<10240xf32, #tpu.memory_space<vmem_shared>> -> memref<10240xf32, #tpu.memory_space<vmem_shared>>
      tpu.wait_indirect_dma semaphore(%arg9 : memref<!tpu.dma_semaphore, #tpu.memory_space<semaphore_mem>>) src(%arg7 : memref<125xf32, #tpu.memory_space<vmem>>) dst(%dma_wait3A_25 : memref<10240xf32, #tpu.memory_space<vmem_shared>>)
    }
    %scan3A_15 = arith.constant 80 : i32
    %barrier3A_16 = arith.constant 0 : index
    tpu.barrier barrier_id(%barrier3A_16)
    %mul3A_17 = arith.constant 640 : i32
    %mul3A_18 = arith.muli %arg1, %mul3A_17 : i32
    %mul3A_19 = arith.constant 640 : i32
    %mul3A_20 = arith.muli %arg1, %mul3A_19 : i32
    "tpu.region"() ({
      %run_scoped3A = tpu.sem_alloc : memref<!tpu.dma_semaphore, #tpu.memory_space<semaphore_mem>>
      %dma_start3A = tpu.memref_slice %arg5[%arg0, %mul3A_20] : memref<2x10240xf32, #tpu.memory_space<hbm>> -> memref<1x640xf32, #tpu.memory_space<hbm>>
      %dma_start3A_21 = tpu.memref_squeeze %dma_start3A : memref<1x640xf32, #tpu.memory_space<hbm>> -> memref<640xf32, #tpu.memory_space<hbm>>
      %dma_start3A_22 = tpu.memref_slice %arg8[%mul3A_18] : memref<10240xf32, #tpu.memory_space<vmem_shared>> -> memref<640xf32, #tpu.memory_space<vmem_shared>>
      tpu.enqueue_dma source(%dma_start3A_22 : memref<640xf32, #tpu.memory_space<vmem_shared>>) target(%dma_start3A_21 : memref<640xf32, #tpu.memory_space<hbm>>) target_semaphore(%run_scoped3A : memref<!tpu.dma_semaphore, #tpu.memory_space<semaphore_mem>>)
      %dma_wait3A = tpu.memref_slice %arg5[%arg0, %mul3A_20] : memref<2x10240xf32, #tpu.memory_space<hbm>> -> memref<1x640xf32, #tpu.memory_space<hbm>>
      %dma_wait3A_23 = tpu.memref_squeeze %dma_wait3A : memref<1x640xf32, #tpu.memory_space<hbm>> -> memref<640xf32, #tpu.memory_space<hbm>>
      %dma_wait3A_24 = tpu.memref_slice %arg8[%mul3A_18] : memref<10240xf32, #tpu.memory_space<vmem_shared>> -> memref<640xf32, #tpu.memory_space<vmem_shared>>
      tpu.wait_dma2 semaphore(%run_scoped3A : memref<!tpu.dma_semaphore, #tpu.memory_space<semaphore_mem>>) src(%dma_wait3A_24 : memref<640xf32, #tpu.memory_space<vmem_shared>>) dst(%dma_wait3A_23 : memref<640xf32, #tpu.memory_space<hbm>>)
      tpu.yield
    }) : () -> ()
    return
  }
}

#map = affine_map<(d0, d1) -> (0, 0)>
#map1 = affine_map<(d0, d1) -> (0, 0, 0)>
module attributes {stable_mosaic.version = 14 : i64} {
  func.func @_agg_call(%arg0: i32, %arg1: i32, %arg2: memref<10240x128xf32, #tpu.memory_space<hbm>>, %arg3: memref<2560x125xi32, #tpu.memory_space<hbm>>, %arg4: memref<2560x1x125xi32, #tpu.memory_space<hbm>>, %arg5: memref<640x128xf32, #tpu.memory_space<hbm>>, %arg6: memref<2x10240x128xf32, #tpu.memory_space<hbm>>, %arg7: memref<125x128xf32, #tpu.memory_space<vmem>>, %arg8: memref<125x128xf32, #tpu.memory_space<vmem>>, %arg9: memref<80x125xi32, #tpu.memory_space<vmem>>, %arg10: memref<2x125xi32, #tpu.memory_space<vmem>>, %arg11: memref<10240x128xf32, #tpu.memory_space<vmem_shared>>, %arg12: memref<!tpu.dma_semaphore, #tpu.memory_space<semaphore_mem>>, %arg13: memref<!tpu.dma_semaphore, #tpu.memory_space<semaphore_mem>>, %arg14: memref<!tpu.dma_semaphore, #tpu.memory_space<semaphore_mem>>, %arg15: memref<!tpu.dma_semaphore, #tpu.memory_space<semaphore_mem>>) attributes {dimension_semantics = [#tpu.dimension_semantics<core_parallel>, #tpu.dimension_semantics<subcore_parallel>], iteration_bounds = array<i64: 2, 16>, scalar_prefetch = 0 : i64, scratch_operands = 9 : i64, tpu.core_type = #tpu.core_type<sc_vector_subcore>, window_params = [{transform_indices = #map}, {transform_indices = #map}, {transform_indices = #map1}, {transform_indices = #map}, {transform_indices = #map1}]} {
    %mul3A = arith.constant 16 : i32
    %mul3A_0 = arith.muli %arg0, %mul3A : i32
    %add3A = arith.addi %mul3A_0, %arg1 : i32
    %mul3A_1 = arith.constant 80 : i32
    %mul3A_2 = arith.muli %add3A, %mul3A_1 : i32
    "tpu.region"() ({
      %run_scoped3A = tpu.sem_alloc : memref<!tpu.dma_semaphore, #tpu.memory_space<semaphore_mem>>
      %dma_start3A_60 = arith.constant 0 : i32
      %dma_start3A_61 = tpu.memref_slice %arg3[%mul3A_2, %dma_start3A_60] : memref<2560x125xi32, #tpu.memory_space<hbm>> -> memref<80x125xi32, #tpu.memory_space<hbm>>
      %dma_start3A_62 = arith.constant 0 : i32
      %dma_start3A_63 = tpu.memref_slice %arg3[%mul3A_2, %dma_start3A_62] : memref<2560x125xi32, #tpu.memory_space<hbm>> -> memref<80x125xi32, #tpu.memory_space<hbm>>
      tpu.enqueue_dma source(%dma_start3A_63 : memref<80x125xi32, #tpu.memory_space<hbm>>) target(%arg9 : memref<80x125xi32, #tpu.memory_space<vmem>>) target_semaphore(%run_scoped3A : memref<!tpu.dma_semaphore, #tpu.memory_space<semaphore_mem>>)
      %dma_wait3A = arith.constant 0 : i32
      %dma_wait3A_64 = tpu.memref_slice %arg3[%mul3A_2, %dma_wait3A] : memref<2560x125xi32, #tpu.memory_space<hbm>> -> memref<80x125xi32, #tpu.memory_space<hbm>>
      %dma_wait3A_65 = arith.constant 0 : i32
      %dma_wait3A_66 = tpu.memref_slice %arg3[%mul3A_2, %dma_wait3A_65] : memref<2560x125xi32, #tpu.memory_space<hbm>> -> memref<80x125xi32, #tpu.memory_space<hbm>>
      tpu.wait_dma2 semaphore(%run_scoped3A : memref<!tpu.dma_semaphore, #tpu.memory_space<semaphore_mem>>) src(%dma_wait3A_66 : memref<80x125xi32, #tpu.memory_space<hbm>>) dst(%arg9 : memref<80x125xi32, #tpu.memory_space<vmem>>)
      tpu.yield
    }) : () -> ()
    %mul3A_3 = arith.constant 640 : i32
    %mul3A_4 = arith.muli %arg1, %mul3A_3 : i32
    "tpu.region"() ({
      %run_scoped3A = tpu.sem_alloc : memref<!tpu.dma_semaphore, #tpu.memory_space<semaphore_mem>>
      %dma_start3A_60 = arith.constant 0 : i32
      %dma_start3A_61 = tpu.memref_slice %arg11[%mul3A_4, %dma_start3A_60] : memref<10240x128xf32, #tpu.memory_space<vmem_shared>> -> memref<640x128xf32, #tpu.memory_space<vmem_shared>>
      tpu.enqueue_dma source(%arg5 : memref<640x128xf32, #tpu.memory_space<hbm>>) target(%dma_start3A_61 : memref<640x128xf32, #tpu.memory_space<vmem_shared>>) target_semaphore(%run_scoped3A : memref<!tpu.dma_semaphore, #tpu.memory_space<semaphore_mem>>)
      %dma_wait3A = arith.constant 0 : i32
      %dma_wait3A_62 = tpu.memref_slice %arg11[%mul3A_4, %dma_wait3A] : memref<10240x128xf32, #tpu.memory_space<vmem_shared>> -> memref<640x128xf32, #tpu.memory_space<vmem_shared>>
      tpu.wait_dma2 semaphore(%run_scoped3A : memref<!tpu.dma_semaphore, #tpu.memory_space<semaphore_mem>>) src(%arg5 : memref<640x128xf32, #tpu.memory_space<hbm>>) dst(%dma_wait3A_62 : memref<640x128xf32, #tpu.memory_space<vmem_shared>>)
      tpu.yield
    }) : () -> ()
    %barrier3A = arith.constant 0 : index
    tpu.barrier barrier_id(%barrier3A)
    %add3A_5 = arith.constant 0 : i32
    %add3A_6 = arith.addi %mul3A_2, %add3A_5 : i32
    %dma_start3A = arith.constant 0 : i32
    %dma_start3A_7 = arith.constant 0 : i32
    %dma_start3A_8 = arith.constant 0 : i32
    %dma_start3A_9 = tpu.memref_slice %arg10[%dma_start3A_7, %dma_start3A_8] : memref<2x125xi32, #tpu.memory_space<vmem>> -> memref<1x125xi32, #tpu.memory_space<vmem>>
    %dma_start3A_10 = tpu.memref_squeeze %dma_start3A_9 : memref<1x125xi32, #tpu.memory_space<vmem>> -> memref<125xi32, #tpu.memory_space<vmem>>
    %dma_start3A_11 = arith.constant 0 : i32
    %dma_start3A_12 = tpu.memref_slice %arg4[%add3A_6, %dma_start3A, %dma_start3A_11] : memref<2560x1x125xi32, #tpu.memory_space<hbm>> -> memref<1x1x125xi32, #tpu.memory_space<hbm>>
    %dma_start3A_13 = tpu.memref_squeeze %dma_start3A_12 : memref<1x1x125xi32, #tpu.memory_space<hbm>> -> memref<125xi32, #tpu.memory_space<hbm>>
    %dma_start3A_14 = arith.constant 0 : i32
    %dma_start3A_15 = tpu.memref_slice %arg10[%dma_start3A_7, %dma_start3A_14] : memref<2x125xi32, #tpu.memory_space<vmem>> -> memref<1x125xi32, #tpu.memory_space<vmem>>
    %dma_start3A_16 = tpu.memref_squeeze %dma_start3A_15 : memref<1x125xi32, #tpu.memory_space<vmem>> -> memref<125xi32, #tpu.memory_space<vmem>>
    %dma_start3A_17 = arith.constant 0 : i32
    %dma_start3A_18 = tpu.memref_slice %arg4[%add3A_6, %dma_start3A, %dma_start3A_17] : memref<2560x1x125xi32, #tpu.memory_space<hbm>> -> memref<1x1x125xi32, #tpu.memory_space<hbm>>
    %dma_start3A_19 = tpu.memref_squeeze %dma_start3A_18 : memref<1x1x125xi32, #tpu.memory_space<hbm>> -> memref<125xi32, #tpu.memory_space<hbm>>
    tpu.enqueue_dma source(%dma_start3A_19 : memref<125xi32, #tpu.memory_space<hbm>>) target(%dma_start3A_16 : memref<125xi32, #tpu.memory_space<vmem>>) target_semaphore(%arg14 : memref<!tpu.dma_semaphore, #tpu.memory_space<semaphore_mem>>)
    %dma_start3A_20 = arith.constant 0 : i32
    %dma_start3A_21 = arith.constant 0 : i32
    %dma_start3A_22 = tpu.memref_slice %arg9[%dma_start3A_20, %dma_start3A_21] : memref<80x125xi32, #tpu.memory_space<vmem>> -> memref<1x125xi32, #tpu.memory_space<vmem>>
    %dma_start3A_23 = tpu.memref_squeeze %dma_start3A_22 : memref<1x125xi32, #tpu.memory_space<vmem>> -> memref<125xi32, #tpu.memory_space<vmem>>
    %dma_start3A_24 = arith.constant 0 : i32
    %dma_start3A_25 = arith.constant 0 : i32
    %dma_start3A_26 = tpu.memref_slice %arg2[%dma_start3A_24, %dma_start3A_25] : memref<10240x128xf32, #tpu.memory_space<hbm>> -> memref<10240x128xf32, #tpu.memory_space<hbm>>
    tpu.enqueue_indirect_dma source(%dma_start3A_26 : memref<10240x128xf32, #tpu.memory_space<hbm>>) target(%arg7 : memref<125x128xf32, #tpu.memory_space<vmem>>) offsets(%dma_start3A_23 : memref<125xi32, #tpu.memory_space<vmem>>) semaphore(%arg12 : memref<!tpu.dma_semaphore, #tpu.memory_space<semaphore_mem>>)
    %add3A_27 = arith.constant 1 : i32
    %add3A_28 = arith.addi %mul3A_2, %add3A_27 : i32
    %dma_start3A_29 = arith.constant 0 : i32
    %dma_start3A_30 = arith.constant 1 : i32
    %dma_start3A_31 = arith.constant 0 : i32
    %dma_start3A_32 = tpu.memref_slice %arg10[%dma_start3A_30, %dma_start3A_31] : memref<2x125xi32, #tpu.memory_space<vmem>> -> memref<1x125xi32, #tpu.memory_space<vmem>>
    %dma_start3A_33 = tpu.memref_squeeze %dma_start3A_32 : memref<1x125xi32, #tpu.memory_space<vmem>> -> memref<125xi32, #tpu.memory_space<vmem>>
    %dma_start3A_34 = arith.constant 0 : i32
    %dma_start3A_35 = tpu.memref_slice %arg4[%add3A_28, %dma_start3A_29, %dma_start3A_34] : memref<2560x1x125xi32, #tpu.memory_space<hbm>> -> memref<1x1x125xi32, #tpu.memory_space<hbm>>
    %dma_start3A_36 = tpu.memref_squeeze %dma_start3A_35 : memref<1x1x125xi32, #tpu.memory_space<hbm>> -> memref<125xi32, #tpu.memory_space<hbm>>
    %dma_start3A_37 = arith.constant 0 : i32
    %dma_start3A_38 = tpu.memref_slice %arg10[%dma_start3A_30, %dma_start3A_37] : memref<2x125xi32, #tpu.memory_space<vmem>> -> memref<1x125xi32, #tpu.memory_space<vmem>>
    %dma_start3A_39 = tpu.memref_squeeze %dma_start3A_38 : memref<1x125xi32, #tpu.memory_space<vmem>> -> memref<125xi32, #tpu.memory_space<vmem>>
    %dma_start3A_40 = arith.constant 0 : i32
    %dma_start3A_41 = tpu.memref_slice %arg4[%add3A_28, %dma_start3A_29, %dma_start3A_40] : memref<2560x1x125xi32, #tpu.memory_space<hbm>> -> memref<1x1x125xi32, #tpu.memory_space<hbm>>
    %dma_start3A_42 = tpu.memref_squeeze %dma_start3A_41 : memref<1x1x125xi32, #tpu.memory_space<hbm>> -> memref<125xi32, #tpu.memory_space<hbm>>
    tpu.enqueue_dma source(%dma_start3A_42 : memref<125xi32, #tpu.memory_space<hbm>>) target(%dma_start3A_39 : memref<125xi32, #tpu.memory_space<vmem>>) target_semaphore(%arg15 : memref<!tpu.dma_semaphore, #tpu.memory_space<semaphore_mem>>)
    %dma_start3A_43 = arith.constant 1 : i32
    %dma_start3A_44 = arith.constant 0 : i32
    %dma_start3A_45 = tpu.memref_slice %arg9[%dma_start3A_43, %dma_start3A_44] : memref<80x125xi32, #tpu.memory_space<vmem>> -> memref<1x125xi32, #tpu.memory_space<vmem>>
    %dma_start3A_46 = tpu.memref_squeeze %dma_start3A_45 : memref<1x125xi32, #tpu.memory_space<vmem>> -> memref<125xi32, #tpu.memory_space<vmem>>
    %dma_start3A_47 = arith.constant 0 : i32
    %dma_start3A_48 = arith.constant 0 : i32
    %dma_start3A_49 = tpu.memref_slice %arg2[%dma_start3A_47, %dma_start3A_48] : memref<10240x128xf32, #tpu.memory_space<hbm>> -> memref<10240x128xf32, #tpu.memory_space<hbm>>
    tpu.enqueue_indirect_dma source(%dma_start3A_49 : memref<10240x128xf32, #tpu.memory_space<hbm>>) target(%arg8 : memref<125x128xf32, #tpu.memory_space<vmem>>) offsets(%dma_start3A_46 : memref<125xi32, #tpu.memory_space<vmem>>) semaphore(%arg13 : memref<!tpu.dma_semaphore, #tpu.memory_space<semaphore_mem>>)
    %scan3A = arith.constant 0 : i32
    %scan3A_50 = arith.constant 0 : i32
    %scan3A_51 = arith.constant 40 : i32
    %scan3A_52 = arith.addi %scan3A_50, %scan3A_51 : i32
    %scan3A_53 = arith.constant 1 : i32
    scf.for %scan3A_60 = %scan3A_50 to %scan3A_52 step %scan3A_53  : i32 {
      %mul3A_61 = arith.constant 2 : i32
      %mul3A_62 = arith.muli %scan3A_60, %mul3A_61 : i32
      %add3A_63 = arith.constant 0 : i32
      %add3A_64 = arith.addi %mul3A_62, %add3A_63 : i32
      %dma_wait3A = arith.constant 0 : i32
      %dma_wait3A_65 = tpu.memref_slice %arg9[%add3A_64, %dma_wait3A] : memref<80x125xi32, #tpu.memory_space<vmem>> -> memref<1x125xi32, #tpu.memory_space<vmem>>
      %dma_wait3A_66 = tpu.memref_squeeze %dma_wait3A_65 : memref<1x125xi32, #tpu.memory_space<vmem>> -> memref<125xi32, #tpu.memory_space<vmem>>
      %dma_wait3A_67 = arith.constant 0 : i32
      %dma_wait3A_68 = arith.constant 0 : i32
      %dma_wait3A_69 = tpu.memref_slice %arg2[%dma_wait3A_67, %dma_wait3A_68] : memref<10240x128xf32, #tpu.memory_space<hbm>> -> memref<10240x128xf32, #tpu.memory_space<hbm>>
      tpu.wait_indirect_dma semaphore(%arg12 : memref<!tpu.dma_semaphore, #tpu.memory_space<semaphore_mem>>) src(%dma_wait3A_69 : memref<10240x128xf32, #tpu.memory_space<hbm>>) dst(%arg7 : memref<125x128xf32, #tpu.memory_space<vmem>>)
      %add3A_70 = arith.addi %mul3A_2, %add3A_64 : i32
      %dma_wait3A_71 = arith.constant 0 : i32
      %dma_wait3A_72 = arith.constant 0 : i32
      %dma_wait3A_73 = arith.constant 0 : i32
      %dma_wait3A_74 = tpu.memref_slice %arg10[%dma_wait3A_72, %dma_wait3A_73] : memref<2x125xi32, #tpu.memory_space<vmem>> -> memref<1x125xi32, #tpu.memory_space<vmem>>
      %dma_wait3A_75 = tpu.memref_squeeze %dma_wait3A_74 : memref<1x125xi32, #tpu.memory_space<vmem>> -> memref<125xi32, #tpu.memory_space<vmem>>
      %dma_wait3A_76 = arith.constant 0 : i32
      %dma_wait3A_77 = tpu.memref_slice %arg4[%add3A_70, %dma_wait3A_71, %dma_wait3A_76] : memref<2560x1x125xi32, #tpu.memory_space<hbm>> -> memref<1x1x125xi32, #tpu.memory_space<hbm>>
      %dma_wait3A_78 = tpu.memref_squeeze %dma_wait3A_77 : memref<1x1x125xi32, #tpu.memory_space<hbm>> -> memref<125xi32, #tpu.memory_space<hbm>>
      %dma_wait3A_79 = arith.constant 0 : i32
      %dma_wait3A_80 = tpu.memref_slice %arg10[%dma_wait3A_72, %dma_wait3A_79] : memref<2x125xi32, #tpu.memory_space<vmem>> -> memref<1x125xi32, #tpu.memory_space<vmem>>
      %dma_wait3A_81 = tpu.memref_squeeze %dma_wait3A_80 : memref<1x125xi32, #tpu.memory_space<vmem>> -> memref<125xi32, #tpu.memory_space<vmem>>
      %dma_wait3A_82 = arith.constant 0 : i32
      %dma_wait3A_83 = tpu.memref_slice %arg4[%add3A_70, %dma_wait3A_71, %dma_wait3A_82] : memref<2560x1x125xi32, #tpu.memory_space<hbm>> -> memref<1x1x125xi32, #tpu.memory_space<hbm>>
      %dma_wait3A_84 = tpu.memref_squeeze %dma_wait3A_83 : memref<1x1x125xi32, #tpu.memory_space<hbm>> -> memref<125xi32, #tpu.memory_space<hbm>>
      tpu.wait_dma2 semaphore(%arg14 : memref<!tpu.dma_semaphore, #tpu.memory_space<semaphore_mem>>) src(%dma_wait3A_84 : memref<125xi32, #tpu.memory_space<hbm>>) dst(%dma_wait3A_81 : memref<125xi32, #tpu.memory_space<vmem>>)
      %run_scoped3A = arith.constant 0 : i32
      "tpu.region"() ({
        %run_scoped3A_120 = tpu.sem_alloc : memref<!tpu.dma_semaphore, #tpu.memory_space<semaphore_mem>>
        %dma_start3A_121 = arith.constant 0 : i32
        %dma_start3A_122 = tpu.memref_slice %arg10[%run_scoped3A, %dma_start3A_121] : memref<2x125xi32, #tpu.memory_space<vmem>> -> memref<1x125xi32, #tpu.memory_space<vmem>>
        %dma_start3A_123 = tpu.memref_squeeze %dma_start3A_122 : memref<1x125xi32, #tpu.memory_space<vmem>> -> memref<125xi32, #tpu.memory_space<vmem>>
        %dma_start3A_124 = arith.constant 0 : i32
        %dma_start3A_125 = arith.constant 0 : i32
        %dma_start3A_126 = tpu.memref_slice %arg11[%dma_start3A_124, %dma_start3A_125] : memref<10240x128xf32, #tpu.memory_space<vmem_shared>> -> memref<10240x128xf32, #tpu.memory_space<vmem_shared>>
        tpu.enqueue_indirect_dma source(%arg7 : memref<125x128xf32, #tpu.memory_space<vmem>>) target(%dma_start3A_126 : memref<10240x128xf32, #tpu.memory_space<vmem_shared>>) offsets(%dma_start3A_123 : memref<125xi32, #tpu.memory_space<vmem>>) semaphore(%run_scoped3A_120 : memref<!tpu.dma_semaphore, #tpu.memory_space<semaphore_mem>>) {add = true}
        %dma_wait3A_127 = arith.constant 0 : i32
        %dma_wait3A_128 = tpu.memref_slice %arg10[%run_scoped3A, %dma_wait3A_127] : memref<2x125xi32, #tpu.memory_space<vmem>> -> memref<1x125xi32, #tpu.memory_space<vmem>>
        %dma_wait3A_129 = tpu.memref_squeeze %dma_wait3A_128 : memref<1x125xi32, #tpu.memory_space<vmem>> -> memref<125xi32, #tpu.memory_space<vmem>>
        %dma_wait3A_130 = arith.constant 0 : i32
        %dma_wait3A_131 = arith.constant 0 : i32
        %dma_wait3A_132 = tpu.memref_slice %arg11[%dma_wait3A_130, %dma_wait3A_131] : memref<10240x128xf32, #tpu.memory_space<vmem_shared>> -> memref<10240x128xf32, #tpu.memory_space<vmem_shared>>
        tpu.wait_indirect_dma semaphore(%run_scoped3A_120 : memref<!tpu.dma_semaphore, #tpu.memory_space<semaphore_mem>>) src(%arg7 : memref<125x128xf32, #tpu.memory_space<vmem>>) dst(%dma_wait3A_132 : memref<10240x128xf32, #tpu.memory_space<vmem_shared>>)
        tpu.yield
      }) : () -> ()
      %add3A_85 = arith.constant 2 : i32
      %add3A_86 = arith.addi %add3A_64, %add3A_85 : i32
      %lt3A = arith.constant 80 : i32
      %lt3A_87 = arith.cmpi slt, %add3A_86, %lt3A : i32
      %convert_element_type3A = arith.extui %lt3A_87 : i1 to i32
      %cond3A = arith.constant 0 : i32
      %cond3A_88 = arith.cmpi ne, %convert_element_type3A, %cond3A : i32
      scf.if %cond3A_88 {
        %add3A_120 = arith.constant 2 : i32
        %add3A_121 = arith.addi %add3A_64, %add3A_120 : i32
        %add3A_122 = arith.addi %mul3A_2, %add3A_121 : i32
        %dma_start3A_123 = arith.constant 0 : i32
        %dma_start3A_124 = arith.constant 0 : i32
        %dma_start3A_125 = arith.constant 0 : i32
        %dma_start3A_126 = tpu.memref_slice %arg10[%dma_start3A_124, %dma_start3A_125] : memref<2x125xi32, #tpu.memory_space<vmem>> -> memref<1x125xi32, #tpu.memory_space<vmem>>
        %dma_start3A_127 = tpu.memref_squeeze %dma_start3A_126 : memref<1x125xi32, #tpu.memory_space<vmem>> -> memref<125xi32, #tpu.memory_space<vmem>>
        %dma_start3A_128 = arith.constant 0 : i32
        %dma_start3A_129 = tpu.memref_slice %arg4[%add3A_122, %dma_start3A_123, %dma_start3A_128] : memref<2560x1x125xi32, #tpu.memory_space<hbm>> -> memref<1x1x125xi32, #tpu.memory_space<hbm>>
        %dma_start3A_130 = tpu.memref_squeeze %dma_start3A_129 : memref<1x1x125xi32, #tpu.memory_space<hbm>> -> memref<125xi32, #tpu.memory_space<hbm>>
        %dma_start3A_131 = arith.constant 0 : i32
        %dma_start3A_132 = tpu.memref_slice %arg10[%dma_start3A_124, %dma_start3A_131] : memref<2x125xi32, #tpu.memory_space<vmem>> -> memref<1x125xi32, #tpu.memory_space<vmem>>
        %dma_start3A_133 = tpu.memref_squeeze %dma_start3A_132 : memref<1x125xi32, #tpu.memory_space<vmem>> -> memref<125xi32, #tpu.memory_space<vmem>>
        %dma_start3A_134 = arith.constant 0 : i32
        %dma_start3A_135 = tpu.memref_slice %arg4[%add3A_122, %dma_start3A_123, %dma_start3A_134] : memref<2560x1x125xi32, #tpu.memory_space<hbm>> -> memref<1x1x125xi32, #tpu.memory_space<hbm>>
        %dma_start3A_136 = tpu.memref_squeeze %dma_start3A_135 : memref<1x1x125xi32, #tpu.memory_space<hbm>> -> memref<125xi32, #tpu.memory_space<hbm>>
        tpu.enqueue_dma source(%dma_start3A_136 : memref<125xi32, #tpu.memory_space<hbm>>) target(%dma_start3A_133 : memref<125xi32, #tpu.memory_space<vmem>>) target_semaphore(%arg14 : memref<!tpu.dma_semaphore, #tpu.memory_space<semaphore_mem>>)
        %add3A_137 = arith.constant 2 : i32
        %add3A_138 = arith.addi %add3A_64, %add3A_137 : i32
        %dma_start3A_139 = arith.constant 0 : i32
        %dma_start3A_140 = tpu.memref_slice %arg9[%add3A_138, %dma_start3A_139] : memref<80x125xi32, #tpu.memory_space<vmem>> -> memref<1x125xi32, #tpu.memory_space<vmem>>
        %dma_start3A_141 = tpu.memref_squeeze %dma_start3A_140 : memref<1x125xi32, #tpu.memory_space<vmem>> -> memref<125xi32, #tpu.memory_space<vmem>>
        %dma_start3A_142 = arith.constant 0 : i32
        %dma_start3A_143 = arith.constant 0 : i32
        %dma_start3A_144 = tpu.memref_slice %arg2[%dma_start3A_142, %dma_start3A_143] : memref<10240x128xf32, #tpu.memory_space<hbm>> -> memref<10240x128xf32, #tpu.memory_space<hbm>>
        tpu.enqueue_indirect_dma source(%dma_start3A_144 : memref<10240x128xf32, #tpu.memory_space<hbm>>) target(%arg7 : memref<125x128xf32, #tpu.memory_space<vmem>>) offsets(%dma_start3A_141 : memref<125xi32, #tpu.memory_space<vmem>>) semaphore(%arg12 : memref<!tpu.dma_semaphore, #tpu.memory_space<semaphore_mem>>)
      } else {
      }
      %add3A_89 = arith.constant 1 : i32
      %add3A_90 = arith.addi %mul3A_62, %add3A_89 : i32
      %dma_wait3A_91 = arith.constant 0 : i32
      %dma_wait3A_92 = tpu.memref_slice %arg9[%add3A_90, %dma_wait3A_91] : memref<80x125xi32, #tpu.memory_space<vmem>> -> memref<1x125xi32, #tpu.memory_space<vmem>>
      %dma_wait3A_93 = tpu.memref_squeeze %dma_wait3A_92 : memref<1x125xi32, #tpu.memory_space<vmem>> -> memref<125xi32, #tpu.memory_space<vmem>>
      %dma_wait3A_94 = arith.constant 0 : i32
      %dma_wait3A_95 = arith.constant 0 : i32
      %dma_wait3A_96 = tpu.memref_slice %arg2[%dma_wait3A_94, %dma_wait3A_95] : memref<10240x128xf32, #tpu.memory_space<hbm>> -> memref<10240x128xf32, #tpu.memory_space<hbm>>
      tpu.wait_indirect_dma semaphore(%arg13 : memref<!tpu.dma_semaphore, #tpu.memory_space<semaphore_mem>>) src(%dma_wait3A_96 : memref<10240x128xf32, #tpu.memory_space<hbm>>) dst(%arg8 : memref<125x128xf32, #tpu.memory_space<vmem>>)
      %add3A_97 = arith.addi %mul3A_2, %add3A_90 : i32
      %dma_wait3A_98 = arith.constant 0 : i32
      %dma_wait3A_99 = arith.constant 1 : i32
      %dma_wait3A_100 = arith.constant 0 : i32
      %dma_wait3A_101 = tpu.memref_slice %arg10[%dma_wait3A_99, %dma_wait3A_100] : memref<2x125xi32, #tpu.memory_space<vmem>> -> memref<1x125xi32, #tpu.memory_space<vmem>>
      %dma_wait3A_102 = tpu.memref_squeeze %dma_wait3A_101 : memref<1x125xi32, #tpu.memory_space<vmem>> -> memref<125xi32, #tpu.memory_space<vmem>>
      %dma_wait3A_103 = arith.constant 0 : i32
      %dma_wait3A_104 = tpu.memref_slice %arg4[%add3A_97, %dma_wait3A_98, %dma_wait3A_103] : memref<2560x1x125xi32, #tpu.memory_space<hbm>> -> memref<1x1x125xi32, #tpu.memory_space<hbm>>
      %dma_wait3A_105 = tpu.memref_squeeze %dma_wait3A_104 : memref<1x1x125xi32, #tpu.memory_space<hbm>> -> memref<125xi32, #tpu.memory_space<hbm>>
      %dma_wait3A_106 = arith.constant 0 : i32
      %dma_wait3A_107 = tpu.memref_slice %arg10[%dma_wait3A_99, %dma_wait3A_106] : memref<2x125xi32, #tpu.memory_space<vmem>> -> memref<1x125xi32, #tpu.memory_space<vmem>>
      %dma_wait3A_108 = tpu.memref_squeeze %dma_wait3A_107 : memref<1x125xi32, #tpu.memory_space<vmem>> -> memref<125xi32, #tpu.memory_space<vmem>>
      %dma_wait3A_109 = arith.constant 0 : i32
      %dma_wait3A_110 = tpu.memref_slice %arg4[%add3A_97, %dma_wait3A_98, %dma_wait3A_109] : memref<2560x1x125xi32, #tpu.memory_space<hbm>> -> memref<1x1x125xi32, #tpu.memory_space<hbm>>
      %dma_wait3A_111 = tpu.memref_squeeze %dma_wait3A_110 : memref<1x1x125xi32, #tpu.memory_space<hbm>> -> memref<125xi32, #tpu.memory_space<hbm>>
      tpu.wait_dma2 semaphore(%arg15 : memref<!tpu.dma_semaphore, #tpu.memory_space<semaphore_mem>>) src(%dma_wait3A_111 : memref<125xi32, #tpu.memory_space<hbm>>) dst(%dma_wait3A_108 : memref<125xi32, #tpu.memory_space<vmem>>)
      %run_scoped3A_112 = arith.constant 1 : i32
      "tpu.region"() ({
        %run_scoped3A_120 = tpu.sem_alloc : memref<!tpu.dma_semaphore, #tpu.memory_space<semaphore_mem>>
        %dma_start3A_121 = arith.constant 0 : i32
        %dma_start3A_122 = tpu.memref_slice %arg10[%run_scoped3A_112, %dma_start3A_121] : memref<2x125xi32, #tpu.memory_space<vmem>> -> memref<1x125xi32, #tpu.memory_space<vmem>>
        %dma_start3A_123 = tpu.memref_squeeze %dma_start3A_122 : memref<1x125xi32, #tpu.memory_space<vmem>> -> memref<125xi32, #tpu.memory_space<vmem>>
        %dma_start3A_124 = arith.constant 0 : i32
        %dma_start3A_125 = arith.constant 0 : i32
        %dma_start3A_126 = tpu.memref_slice %arg11[%dma_start3A_124, %dma_start3A_125] : memref<10240x128xf32, #tpu.memory_space<vmem_shared>> -> memref<10240x128xf32, #tpu.memory_space<vmem_shared>>
        tpu.enqueue_indirect_dma source(%arg8 : memref<125x128xf32, #tpu.memory_space<vmem>>) target(%dma_start3A_126 : memref<10240x128xf32, #tpu.memory_space<vmem_shared>>) offsets(%dma_start3A_123 : memref<125xi32, #tpu.memory_space<vmem>>) semaphore(%run_scoped3A_120 : memref<!tpu.dma_semaphore, #tpu.memory_space<semaphore_mem>>) {add = true}
        %dma_wait3A_127 = arith.constant 0 : i32
        %dma_wait3A_128 = tpu.memref_slice %arg10[%run_scoped3A_112, %dma_wait3A_127] : memref<2x125xi32, #tpu.memory_space<vmem>> -> memref<1x125xi32, #tpu.memory_space<vmem>>
        %dma_wait3A_129 = tpu.memref_squeeze %dma_wait3A_128 : memref<1x125xi32, #tpu.memory_space<vmem>> -> memref<125xi32, #tpu.memory_space<vmem>>
        %dma_wait3A_130 = arith.constant 0 : i32
        %dma_wait3A_131 = arith.constant 0 : i32
        %dma_wait3A_132 = tpu.memref_slice %arg11[%dma_wait3A_130, %dma_wait3A_131] : memref<10240x128xf32, #tpu.memory_space<vmem_shared>> -> memref<10240x128xf32, #tpu.memory_space<vmem_shared>>
        tpu.wait_indirect_dma semaphore(%run_scoped3A_120 : memref<!tpu.dma_semaphore, #tpu.memory_space<semaphore_mem>>) src(%arg8 : memref<125x128xf32, #tpu.memory_space<vmem>>) dst(%dma_wait3A_132 : memref<10240x128xf32, #tpu.memory_space<vmem_shared>>)
        tpu.yield
      }) : () -> ()
      %add3A_113 = arith.constant 2 : i32
      %add3A_114 = arith.addi %add3A_90, %add3A_113 : i32
      %lt3A_115 = arith.constant 80 : i32
      %lt3A_116 = arith.cmpi slt, %add3A_114, %lt3A_115 : i32
      %convert_element_type3A_117 = arith.extui %lt3A_116 : i1 to i32
      %cond3A_118 = arith.constant 0 : i32
      %cond3A_119 = arith.cmpi ne, %convert_element_type3A_117, %cond3A_118 : i32
      scf.if %cond3A_119 {
        %add3A_120 = arith.constant 2 : i32
        %add3A_121 = arith.addi %add3A_90, %add3A_120 : i32
        %add3A_122 = arith.addi %mul3A_2, %add3A_121 : i32
        %dma_start3A_123 = arith.constant 0 : i32
        %dma_start3A_124 = arith.constant 1 : i32
        %dma_start3A_125 = arith.constant 0 : i32
        %dma_start3A_126 = tpu.memref_slice %arg10[%dma_start3A_124, %dma_start3A_125] : memref<2x125xi32, #tpu.memory_space<vmem>> -> memref<1x125xi32, #tpu.memory_space<vmem>>
        %dma_start3A_127 = tpu.memref_squeeze %dma_start3A_126 : memref<1x125xi32, #tpu.memory_space<vmem>> -> memref<125xi32, #tpu.memory_space<vmem>>
        %dma_start3A_128 = arith.constant 0 : i32
        %dma_start3A_129 = tpu.memref_slice %arg4[%add3A_122, %dma_start3A_123, %dma_start3A_128] : memref<2560x1x125xi32, #tpu.memory_space<hbm>> -> memref<1x1x125xi32, #tpu.memory_space<hbm>>
        %dma_start3A_130 = tpu.memref_squeeze %dma_start3A_129 : memref<1x1x125xi32, #tpu.memory_space<hbm>> -> memref<125xi32, #tpu.memory_space<hbm>>
        %dma_start3A_131 = arith.constant 0 : i32
        %dma_start3A_132 = tpu.memref_slice %arg10[%dma_start3A_124, %dma_start3A_131] : memref<2x125xi32, #tpu.memory_space<vmem>> -> memref<1x125xi32, #tpu.memory_space<vmem>>
        %dma_start3A_133 = tpu.memref_squeeze %dma_start3A_132 : memref<1x125xi32, #tpu.memory_space<vmem>> -> memref<125xi32, #tpu.memory_space<vmem>>
        %dma_start3A_134 = arith.constant 0 : i32
        %dma_start3A_135 = tpu.memref_slice %arg4[%add3A_122, %dma_start3A_123, %dma_start3A_134] : memref<2560x1x125xi32, #tpu.memory_space<hbm>> -> memref<1x1x125xi32, #tpu.memory_space<hbm>>
        %dma_start3A_136 = tpu.memref_squeeze %dma_start3A_135 : memref<1x1x125xi32, #tpu.memory_space<hbm>> -> memref<125xi32, #tpu.memory_space<hbm>>
        tpu.enqueue_dma source(%dma_start3A_136 : memref<125xi32, #tpu.memory_space<hbm>>) target(%dma_start3A_133 : memref<125xi32, #tpu.memory_space<vmem>>) target_semaphore(%arg15 : memref<!tpu.dma_semaphore, #tpu.memory_space<semaphore_mem>>)
        %add3A_137 = arith.constant 2 : i32
        %add3A_138 = arith.addi %add3A_90, %add3A_137 : i32
        %dma_start3A_139 = arith.constant 0 : i32
        %dma_start3A_140 = tpu.memref_slice %arg9[%add3A_138, %dma_start3A_139] : memref<80x125xi32, #tpu.memory_space<vmem>> -> memref<1x125xi32, #tpu.memory_space<vmem>>
        %dma_start3A_141 = tpu.memref_squeeze %dma_start3A_140 : memref<1x125xi32, #tpu.memory_space<vmem>> -> memref<125xi32, #tpu.memory_space<vmem>>
        %dma_start3A_142 = arith.constant 0 : i32
        %dma_start3A_143 = arith.constant 0 : i32
        %dma_start3A_144 = tpu.memref_slice %arg2[%dma_start3A_142, %dma_start3A_143] : memref<10240x128xf32, #tpu.memory_space<hbm>> -> memref<10240x128xf32, #tpu.memory_space<hbm>>
        tpu.enqueue_indirect_dma source(%dma_start3A_144 : memref<10240x128xf32, #tpu.memory_space<hbm>>) target(%arg8 : memref<125x128xf32, #tpu.memory_space<vmem>>) offsets(%dma_start3A_141 : memref<125xi32, #tpu.memory_space<vmem>>) semaphore(%arg13 : memref<!tpu.dma_semaphore, #tpu.memory_space<semaphore_mem>>)
      } else {
      }
    }
    %scan3A_54 = arith.constant 40 : i32
    %barrier3A_55 = arith.constant 0 : index
    tpu.barrier barrier_id(%barrier3A_55)
    %mul3A_56 = arith.constant 640 : i32
    %mul3A_57 = arith.muli %arg1, %mul3A_56 : i32
    %mul3A_58 = arith.constant 640 : i32
    %mul3A_59 = arith.muli %arg1, %mul3A_58 : i32
    "tpu.region"() ({
      %run_scoped3A = tpu.sem_alloc : memref<!tpu.dma_semaphore, #tpu.memory_space<semaphore_mem>>
      %dma_start3A_60 = arith.constant 0 : i32
      %dma_start3A_61 = tpu.memref_slice %arg6[%arg0, %mul3A_59, %dma_start3A_60] : memref<2x10240x128xf32, #tpu.memory_space<hbm>> -> memref<1x640x128xf32, #tpu.memory_space<hbm>>
      %dma_start3A_62 = tpu.memref_squeeze %dma_start3A_61 : memref<1x640x128xf32, #tpu.memory_space<hbm>> -> memref<640x128xf32, #tpu.memory_space<hbm>>
      %dma_start3A_63 = arith.constant 0 : i32
      %dma_start3A_64 = tpu.memref_slice %arg11[%mul3A_57, %dma_start3A_63] : memref<10240x128xf32, #tpu.memory_space<vmem_shared>> -> memref<640x128xf32, #tpu.memory_space<vmem_shared>>
      tpu.enqueue_dma source(%dma_start3A_64 : memref<640x128xf32, #tpu.memory_space<vmem_shared>>) target(%dma_start3A_62 : memref<640x128xf32, #tpu.memory_space<hbm>>) target_semaphore(%run_scoped3A : memref<!tpu.dma_semaphore, #tpu.memory_space<semaphore_mem>>)
      %dma_wait3A = arith.constant 0 : i32
      %dma_wait3A_65 = tpu.memref_slice %arg6[%arg0, %mul3A_59, %dma_wait3A] : memref<2x10240x128xf32, #tpu.memory_space<hbm>> -> memref<1x640x128xf32, #tpu.memory_space<hbm>>
      %dma_wait3A_66 = tpu.memref_squeeze %dma_wait3A_65 : memref<1x640x128xf32, #tpu.memory_space<hbm>> -> memref<640x128xf32, #tpu.memory_space<hbm>>
      %dma_wait3A_67 = arith.constant 0 : i32
      %dma_wait3A_68 = tpu.memref_slice %arg11[%mul3A_57, %dma_wait3A_67] : memref<10240x128xf32, #tpu.memory_space<vmem_shared>> -> memref<640x128xf32, #tpu.memory_space<vmem_shared>>
      tpu.wait_dma2 semaphore(%run_scoped3A : memref<!tpu.dma_semaphore, #tpu.memory_space<semaphore_mem>>) src(%dma_wait3A_68 : memref<640x128xf32, #tpu.memory_space<vmem_shared>>) dst(%dma_wait3A_66 : memref<640x128xf32, #tpu.memory_space<hbm>>)
      tpu.yield
    }) : () -> ()
    return
  }
}

module attributes {stable_mosaic.version = 14 : i64} {
  func.func @_hs_body(%arg0: i32, %arg1: memref<1024x128xf32, #tpu.memory_space<vmem>>, %arg2: memref<128x128xf32, #tpu.memory_space<vmem>>, %arg3: memref<2x10240xf32, #tpu.memory_space<vmem>>, %arg4: memref<1024x128xf32, #tpu.memory_space<vmem>>) attributes {dimension_semantics = [#tpu.dimension_semantics<arbitrary>], iteration_bounds = array<i64: 10>, scalar_prefetch = 0 : i64, scratch_operands = 0 : i64, tpu.core_type = #tpu.core_type<tc>, window_params = [{transform_indices = @transform_0, window_bounds = array<i64: 1024, 128>}, {pipeline_mode = #tpu.pipeline_mode<synchronous>, transform_indices = @transform_1, window_bounds = array<i64: 128, 128>}, {pipeline_mode = #tpu.pipeline_mode<synchronous>, transform_indices = @transform_2, window_bounds = array<i64: 2, 10240>}, {transform_indices = @transform_3, window_bounds = array<i64: 1024, 128>}]} {
    %mul3A = arith.constant 1024 : i32
    %mul3A_0 = arith.muli %arg0, %mul3A : i32
    %get3A = arith.constant 0 : index
    %get3A_1 = arith.index_cast %mul3A_0 : i32 to index
    %get3A_2 = vector.load %arg3[%get3A, %get3A_1] : memref<2x10240xf32, #tpu.memory_space<vmem>>, vector<1x1024xf32>
    %get3A_3 = vector.shape_cast %get3A_2 : vector<1x1024xf32> to vector<1024xf32>
    %mul3A_4 = arith.constant 1024 : i32
    %mul3A_5 = arith.muli %arg0, %mul3A_4 : i32
    %get3A_6 = arith.constant 1 : index
    %get3A_7 = arith.index_cast %mul3A_5 : i32 to index
    %get3A_8 = vector.load %arg3[%get3A_6, %get3A_7] : memref<2x10240xf32, #tpu.memory_space<vmem>>, vector<1x1024xf32>
    %get3A_9 = vector.shape_cast %get3A_8 : vector<1x1024xf32> to vector<1024xf32>
    %add3A = arith.addf %get3A_3, %get3A_9 : vector<1024xf32>
    %add3A_10 = arith.constant 1.000000e+00 : f32
    %add3A_11 = vector.broadcast %add3A_10 : f32 to vector<1024xf32>
    %add3A_12 = arith.addf %add3A, %add3A_11 : vector<1024xf32>
    %rsqrt3A = math.rsqrt %add3A_12 : vector<1024xf32>
    %get3A_13 = arith.constant 0 : index
    %get3A_14 = arith.constant 0 : index
    %get3A_15 = vector.load %arg1[%get3A_13, %get3A_14] : memref<1024x128xf32, #tpu.memory_space<vmem>>, vector<1024x128xf32>
    %get3A_16 = arith.constant 0 : index
    %get3A_17 = arith.constant 0 : index
    %get3A_18 = vector.load %arg2[%get3A_16, %get3A_17] : memref<128x128xf32, #tpu.memory_space<vmem>>, vector<128x128xf32>
    %dot_general3A = arith.constant dense<0.000000e+00> : vector<1024x128xf32>
    %dot_general3A_19 = tpu.matmul %get3A_15, %get3A_18, %dot_general3A {dimension_numbers = #tpu.dot_dimension_numbers<[1], [0], [0], [1], [0, 0, 1, 1], [], []>, transpose_lhs_hint = false} : vector<1024x128xf32>, vector<128x128xf32>, vector<1024x128xf32> -> vector<1024x128xf32>
    %broadcast_in_dim3A = vector.shape_cast %rsqrt3A : vector<1024xf32> to vector<1024x1xf32>
    %mul3A_20 = vector.broadcast %broadcast_in_dim3A : vector<1024x1xf32> to vector<1024x128xf32>
    %mul3A_21 = arith.mulf %dot_general3A_19, %mul3A_20 : vector<1024x128xf32>
    %swap3A = arith.constant 0 : index
    %swap3A_22 = arith.constant 0 : index
    %swap3A_23 = vector.load %arg4[%swap3A, %swap3A_22] : memref<1024x128xf32, #tpu.memory_space<vmem>>, vector<1024x128xf32>
    tpu.vector_store %arg4[%swap3A, %swap3A_22], %mul3A_21 {strides = array<i32>} : memref<1024x128xf32, #tpu.memory_space<vmem>>, vector<1024x128xf32>,
    return
  }
  func.func @transform_0(%arg0: i32) -> (i32, i32) {
    %c0_i32 = arith.constant 0 : i32
    %c0_i32_0 = arith.constant 0 : i32
    return %arg0, %c0_i32 : i32, i32
  }
  func.func @transform_1(%arg0: i32) -> (i32, i32) {
    %c0_i32 = arith.constant 0 : i32
    %c0_i32_0 = arith.constant 0 : i32
    %c0_i32_1 = arith.constant 0 : i32
    return %c0_i32, %c0_i32_0 : i32, i32
  }
  func.func @transform_2(%arg0: i32) -> (i32, i32) {
    %c0_i32 = arith.constant 0 : i32
    %c0_i32_0 = arith.constant 0 : i32
    %c0_i32_1 = arith.constant 0 : i32
    return %c0_i32, %c0_i32_0 : i32, i32
  }
  func.func @transform_3(%arg0: i32) -> (i32, i32) {
    %c0_i32 = arith.constant 0 : i32
    %c0_i32_0 = arith.constant 0 : i32
    return %arg0, %c0_i32 : i32, i32
  }
}

module attributes {stable_mosaic.version = 14 : i64} {
  func.func @_final_body(%arg0: i32, %arg1: memref<2x1024x128xf32, #tpu.memory_space<vmem>>, %arg2: memref<1024x128xf32, #tpu.memory_space<vmem>>, %arg3: memref<2x10240xf32, #tpu.memory_space<vmem>>, %arg4: memref<1x128xf32, #tpu.memory_space<vmem>>, %arg5: memref<1024x128xf32, #tpu.memory_space<vmem>>) attributes {dimension_semantics = [#tpu.dimension_semantics<arbitrary>], iteration_bounds = array<i64: 10>, scalar_prefetch = 0 : i64, scratch_operands = 0 : i64, tpu.core_type = #tpu.core_type<tc>, window_params = [{transform_indices = @transform_0, window_bounds = array<i64: 2, 1024, 128>}, {transform_indices = @transform_1, window_bounds = array<i64: 1024, 128>}, {pipeline_mode = #tpu.pipeline_mode<synchronous>, transform_indices = @transform_2, window_bounds = array<i64: 2, 10240>}, {pipeline_mode = #tpu.pipeline_mode<synchronous>, transform_indices = @transform_3, window_bounds = array<i64: 1, 128>}, {transform_indices = @transform_4, window_bounds = array<i64: 1024, 128>}]} {
    %mul3A = arith.constant 1024 : i32
    %mul3A_0 = arith.muli %arg0, %mul3A : i32
    %get3A = arith.constant 0 : index
    %get3A_1 = arith.index_cast %mul3A_0 : i32 to index
    %get3A_2 = vector.load %arg3[%get3A, %get3A_1] : memref<2x10240xf32, #tpu.memory_space<vmem>>, vector<1x1024xf32>
    %get3A_3 = vector.shape_cast %get3A_2 : vector<1x1024xf32> to vector<1024xf32>
    %mul3A_4 = arith.constant 1024 : i32
    %mul3A_5 = arith.muli %arg0, %mul3A_4 : i32
    %get3A_6 = arith.constant 1 : index
    %get3A_7 = arith.index_cast %mul3A_5 : i32 to index
    %get3A_8 = vector.load %arg3[%get3A_6, %get3A_7] : memref<2x10240xf32, #tpu.memory_space<vmem>>, vector<1x1024xf32>
    %get3A_9 = vector.shape_cast %get3A_8 : vector<1x1024xf32> to vector<1024xf32>
    %add3A = arith.addf %get3A_3, %get3A_9 : vector<1024xf32>
    %add3A_10 = arith.constant 1.000000e+00 : f32
    %add3A_11 = vector.broadcast %add3A_10 : f32 to vector<1024xf32>
    %add3A_12 = arith.addf %add3A, %add3A_11 : vector<1024xf32>
    %rsqrt3A = math.rsqrt %add3A_12 : vector<1024xf32>
    %get3A_13 = arith.constant 0 : index
    %get3A_14 = arith.constant 0 : index
    %get3A_15 = arith.constant 0 : index
    %get3A_16 = vector.load %arg1[%get3A_13, %get3A_14, %get3A_15] : memref<2x1024x128xf32, #tpu.memory_space<vmem>>, vector<1x1024x128xf32>
    %get3A_17 = vector.shape_cast %get3A_16 : vector<1x1024x128xf32> to vector<1024x128xf32>
    %get3A_18 = arith.constant 1 : index
    %get3A_19 = arith.constant 0 : index
    %get3A_20 = arith.constant 0 : index
    %get3A_21 = vector.load %arg1[%get3A_18, %get3A_19, %get3A_20] : memref<2x1024x128xf32, #tpu.memory_space<vmem>>, vector<1x1024x128xf32>
    %get3A_22 = vector.shape_cast %get3A_21 : vector<1x1024x128xf32> to vector<1024x128xf32>
    %add3A_23 = arith.addf %get3A_17, %get3A_22 : vector<1024x128xf32>
    %get3A_24 = arith.constant 0 : index
    %get3A_25 = arith.constant 0 : index
    %get3A_26 = vector.load %arg2[%get3A_24, %get3A_25] : memref<1024x128xf32, #tpu.memory_space<vmem>>, vector<1024x128xf32>
    %add3A_27 = arith.addf %add3A_23, %get3A_26 : vector<1024x128xf32>
    %broadcast_in_dim3A = vector.shape_cast %rsqrt3A : vector<1024xf32> to vector<1024x1xf32>
    %mul3A_28 = vector.broadcast %broadcast_in_dim3A : vector<1024x1xf32> to vector<1024x128xf32>
    %mul3A_29 = arith.mulf %add3A_27, %mul3A_28 : vector<1024x128xf32>
    %get3A_30 = arith.constant 0 : index
    %get3A_31 = arith.constant 0 : index
    %get3A_32 = vector.load %arg4[%get3A_30, %get3A_31] : memref<1x128xf32, #tpu.memory_space<vmem>>, vector<1x128xf32>
    %add3A_33 = vector.broadcast %get3A_32 : vector<1x128xf32> to vector<1024x128xf32>
    %add3A_34 = arith.addf %mul3A_29, %add3A_33 : vector<1024x128xf32>
    %reduce_max3A = arith.constant dense<0xFF800000> : vector<1024xf32>
    %reduce_max3A_35 = vector.multi_reduction <maximumf>, %add3A_34, %reduce_max3A [1] : vector<1024x128xf32> to vector<1024xf32>
    %broadcast_in_dim3A_36 = vector.shape_cast %reduce_max3A_35 : vector<1024xf32> to vector<1024x1xf32>
    %sub3A = vector.broadcast %broadcast_in_dim3A_36 : vector<1024x1xf32> to vector<1024x128xf32>
    %sub3A_37 = arith.subf %add3A_34, %sub3A : vector<1024x128xf32>
    %exp3A = math.exp %sub3A_37 : vector<1024x128xf32>
    %reduce_sum3A = arith.constant dense<0.000000e+00> : vector<1024xf32>
    %reduce_sum3A_38 = vector.multi_reduction <add>, %exp3A, %reduce_sum3A [1] : vector<1024x128xf32> to vector<1024xf32>
    %broadcast_in_dim3A_39 = vector.shape_cast %reduce_sum3A_38 : vector<1024xf32> to vector<1024x1xf32>
    %log3A = math.log %broadcast_in_dim3A_39 : vector<1024x1xf32>
    %add3A_40 = arith.addf %log3A, %broadcast_in_dim3A_36 : vector<1024x1xf32>
    %sub3A_41 = vector.broadcast %add3A_40 : vector<1024x1xf32> to vector<1024x128xf32>
    %sub3A_42 = arith.subf %add3A_34, %sub3A_41 : vector<1024x128xf32>
    %swap3A = arith.constant 0 : index
    %swap3A_43 = arith.constant 0 : index
    %swap3A_44 = vector.load %arg5[%swap3A, %swap3A_43] : memref<1024x128xf32, #tpu.memory_space<vmem>>, vector<1024x128xf32>
    tpu.vector_store %arg5[%swap3A, %swap3A_43], %sub3A_42 {strides = array<i32>} : memref<1024x128xf32, #tpu.memory_space<vmem>>, vector<1024x128xf32>,
    return
  }
  func.func @transform_0(%arg0: i32) -> (i32, i32, i32) {
    %c0_i32 = arith.constant 0 : i32
    %c0_i32_0 = arith.constant 0 : i32
    %c0_i32_1 = arith.constant 0 : i32
    return %c0_i32, %arg0, %c0_i32_0 : i32, i32, i32
  }
  func.func @transform_1(%arg0: i32) -> (i32, i32) {
    %c0_i32 = arith.constant 0 : i32
    %c0_i32_0 = arith.constant 0 : i32
    return %arg0, %c0_i32 : i32, i32
  }
  func.func @transform_2(%arg0: i32) -> (i32, i32) {
    %c0_i32 = arith.constant 0 : i32
    %c0_i32_0 = arith.constant 0 : i32
    %c0_i32_1 = arith.constant 0 : i32
    return %c0_i32, %c0_i32_0 : i32, i32
  }
  func.func @transform_3(%arg0: i32) -> (i32, i32) {
    %c0_i32 = arith.constant 0 : i32
    %c0_i32_0 = arith.constant 0 : i32
    %c0_i32_1 = arith.constant 0 : i32
    return %c0_i32, %c0_i32_0 : i32, i32
  }
  func.func @transform_4(%arg0: i32) -> (i32, i32) {
    %c0_i32 = arith.constant 0 : i32
    %c0_i32_0 = arith.constant 0 : i32
    return %arg0, %c0_i32 : i32, i32
  }
}

</mosaic_0001>

<sc_bundles>
// kernel: kernel.6.cloned.1.call-start
scs
__scs_entry_jumppad:
0x0: {  	(pc) =	sbr.rel $0x88, $3  }
0x1: {  	(tag) =	ssettag $0x0;
	lr =	simm.s32 $0x1  }
0x2: {  	[smem:$0x3F9D] =	sst lr;
	_ =	strace $0xD0000000  }
0x3: {  	_ = 	snop  }
0x4: {  	_ = 	snop  }
0x5: {  	_ = 	snop  }
0x6: {  	_ = 	snop  }
0x7: {  	_ = 	snop  }
__scs_overlays_trampoline_lowered:
0x8: {  	[smem:$0x3FAC] =	sst s0  }
0x9: {  	[smem:$0x3FAD] =	sst s1  }
0xa: {  	[smem:$0x3FAE] =	sst s2  }
0xb: {  	[smem:$0x3FAF] =	sst s3  }
0xc: {  	[smem:$0x3FB0] =	sst s4  }
0xd: {  	[smem:$0x3FB1] =	sst s5  }
0xe: {  	[smem:$0x3FB2] =	sst s6  }
0xf: {  	[smem:$0x3FB3] =	sst s7  }
0x10: {  	[smem:$0x3FB4] =	sst s8  }
0x11: {  	[smem:$0x3FB5] =	sst s9;
	s0 =	simm.s32 @!p0 $0x0  }
0x12: {  	s1 =	sld [smem:$0x3F9B];
	s0 =	simm.s32 @p0 $0x1  }
0x13: {  	[smem:$0x3FB6] =	sst s0;
	s0 =	simm.s32 @!p1 $0x0  }
0x14: {  	s2 =	sld [smem:$0x3F9A];
	s0 =	simm.s32 @p1 $0x1  }
0x15: {  	[smem:$0x3FB7] =	sst s0;
	s0 =	simm.s32 @!p2 $0x0  }
0x16: {  	s3 =	sld [smem:$0x3FDB];
	s0 =	simm.s32 @p2 $0x1  }
0x17: {  	s4 =	simm.s32 $0x1BF5;
	[smem:$0x3FB9] =	sst s0  }
0x18: {  	s0 =	sld [smem:$0x3F9C];
	_ =	swait.ge [sflag:s4], $0x0  }
0x19: {  	s7 =	sld [smem:$0x3F9D]  }
0x1a: {  	s8 =	sadd.s32 $0xFFFFE003, lr  }
0x1b: {  	s9 =	sadd.s32 $0xFFFFFEF7, lr;
	s5 =	simm.s32 $0xFFFFFFFF;
	p2 =	slt.u32 s8, $0xFFFFF086  }
0x1c: {  	p1 =	slt.u32 s9, $0xF7A;
	s5 =	simm.s32 @!p2 $0x0  }
0x1d: {  	s5 =	simm.s32 @p1 $0x1;
	p0 =	seq.s32 s7, s2  }
0x1e: {  	s7 =	smul.u32 @!p0 $0xF7A, s2;
	p2 =	seq.s32 @!p0 s5, $0x0  }
0x1f: {  	s9 =	smul.u32 $0xF7A, s1;
	s8 =	simm.s32 @!p0 $0x1BF5;
	p2 =	por !p2, p0  }
0x20: {  	[sflag:s8] =	ssyncset.s32 @!p0 $0xFFFFF086;
	s6 =	sadd.s32 @!p0 s3, s7;
	s7 =	simm.s32 @!p0 $0x108  }
0x21: {  	s3 =	sadd.s32 s3, s9;
	s6 =	sadd.s32 @!p0 $0x88, s6;
	s7 =	simm.s32 @p2 $0x1082  }
0x22: {  	[simem:s7], [sflag:s8] =	dma.local @!p0 [hbm:s6], $0xF7A  }
0x23: {  	s9 =	sor.u32 $0xD0000000, s2;
	s6 =	simm.s32 $0x108;
	_ =	swait.ge @!p0 [sflag:s8], $0x0  }
0x24: {  	s3 =	sadd.s32 $0x88, s3;
	s6 =	simm.s32 @!p1 $0x1082;
	[sflag:s4] =	ssyncset.s32 $0xFFFFF086  }
0x25: {  	[simem:s6], [sflag:s4] =	dma.local [hbm:s3], $0xF7A  }
0x26: {  	[smem:$0x3F9D] =	sst s1;
	(tag) =	ssettag s2;
	_ =	strace s9  }
0x27: {  	s1 =	sld [smem:$0x3FAD]  }
0x28: {  	s2 =	sld [smem:$0x3FAE]  }
0x29: {  	s4 =	sld [smem:$0x3FB0]  }
0x2a: {  	p0 =	seq.s32 s5, $0x0;
	s5 =	sld [smem:$0x3FB1]  }
0x2b: {  	s6 =	sld [smem:$0x3FB2]  }
0x2c: {  	s7 =	sld [smem:$0x3FB3]  }
0x2d: {  	s3 =	simm.s32 $0x108;
	s8 =	sld [smem:$0x3FB4]  }
0x2e: {  	s3 =	simm.s32 @!p0 $0x1082;
	s9 =	sld [smem:$0x3FB5]  }
0x2f: {  	lr =	sadd.s32 s0, s3;
	s0 =	sld [smem:$0x3FAC]  }
0x30: {  	s3 =	sld [smem:$0x3FAF]  }
0x31: {  	[smem:$0x3FB8] =	sst s10  }
0x32: {  	s10 =	sld [smem:$0x3FB6];
	_ =	sdelay $0x3  }
0x33: {  	p0 =	seq.s32 s10, $0x1;
	s10 =	sld [smem:$0x3FB8];
	_ =	sdelay $0x3  }
0x34: {  	[smem:$0x3FB8] =	sst s10  }
0x35: {  	s10 =	sld [smem:$0x3FB7];
	_ =	sdelay $0x3  }
0x36: {  	p1 =	seq.s32 s10, $0x1;
	s10 =	sld [smem:$0x3FB8];
	_ =	sdelay $0x3  }
0x37: {  	[smem:$0x3FB8] =	sst s10  }
0x38: {  	s10 =	sld [smem:$0x3FB9]  }
0x39: {  	_ = 	snop;
	(pc) =	sbr.ind lr, $3  }
0x3a: {  	_ = 	snop  }
0x3b: {  	_ = 	snop  }
0x3c: {  	p2 =	seq.s32 s10, $0x1;
	s10 =	sld [smem:$0x3FB8]  }
0x3d: {  	_ =	shalt  }
0x3e: {  	_ =	shalt  }
0x3f: {  	_ =	shalt  }
0x40: {  	_ =	shalt  }
0x41: {  	_ =	shalt  }
0x42: {  	_ =	shalt  }
0x43: {  	_ =	shalt  }
0x44: {  	_ =	shalt  }
0x45: {  	_ =	shalt  }
0x46: {  	_ =	shalt  }
0x47: {  	_ =	shalt  }
0x48: {  	_ =	shalt  }
0x49: {  	_ =	shalt  }
0x4a: {  	_ =	shalt  }
0x4b: {  	_ =	shalt  }
0x4c: {  	_ =	shalt  }
0x4d: {  	_ =	shalt  }
0x4e: {  	_ =	shalt  }
0x4f: {  	_ =	shalt  }
0x50: {  	_ =	shalt  }
0x51: {  	_ =	shalt  }
0x52: {  	_ =	shalt  }
0x53: {  	_ =	shalt  }
0x54: {  	_ =	shalt  }
0x55: {  	_ =	shalt  }
0x56: {  	_ =	shalt  }
0x57: {  	_ =	shalt  }
0x58: {  	_ =	shalt  }
0x59: {  	_ =	shalt  }
0x5a: {  	_ =	shalt  }
0x5b: {  	_ =	shalt  }
0x5c: {  	_ =	shalt  }
0x5d: {  	_ =	shalt  }
0x5e: {  	_ =	shalt  }
0x5f: {  	_ =	shalt  }
0x60: {  	_ =	shalt  }
0x61: {  	_ =	shalt  }
0x62: {  	_ =	shalt  }
0x63: {  	_ =	shalt  }
0x64: {  	_ =	shalt  }
0x65: {  	_ =	shalt  }
0x66: {  	_ =	shalt  }
0x67: {  	_ =	shalt  }
0x68: {  	_ =	shalt  }
0x69: {  	_ =	shalt  }
0x6a: {  	_ =	shalt  }
0x6b: {  	_ =	shalt  }
0x6c: {  	_ =	shalt  }
0x6d: {  	_ =	shalt  }
0x6e: {  	_ =	shalt  }
0x6f: {  	_ =	shalt  }
0x70: {  	_ =	shalt  }
0x71: {  	_ =	shalt  }
0x72: {  	_ =	shalt  }
0x73: {  	_ =	shalt  }
0x74: {  	_ =	shalt  }
0x75: {  	_ =	shalt  }
0x76: {  	_ =	shalt  }
0x77: {  	_ =	shalt  }
0x78: {  	_ =	shalt  }
0x79: {  	_ =	shalt  }
0x7a: {  	_ =	shalt  }
0x7b: {  	_ =	shalt  }
0x7c: {  	_ =	shalt  }
0x7d: {  	_ =	shalt  }
0x7e: {  	_ =	shalt  }
0x7f: {  	_ =	shalt  }
0x80: {  	_ =	shalt  }
0x81: {  	_ =	shalt  }
0x82: {  	_ =	shalt  }
0x83: {  	_ =	shalt  }
0x84: {  	_ =	shalt  }
0x85: {  	_ =	shalt  }
0x86: {  	_ =	shalt  }
0x87: {  	_ =	shalt  }
.Lfunc_end0:
.L_simem_size_0:
called_computation_lowered:
.L_overlay_start_0:
0x88: {  	s2 =	sld [smem:$0x3FD9]  }
0x89: {  	s3 =	sld [smem:$0x3FFE];
	_ =	sdelay $0x1  }
0x8a: {  	s1 =	srdreg.scid  }
0x8b: {  	s0 =	sand.u32 $0x1, s1  }
0x8c: {  	s17 =	sshll.u32 s0, $0xA;
	s2 =	sadd.s32 s3, s2  }
0x8d: {  	s2 =	sadd.s32 s2, s17  }
0x8e: {  	[smem:$0x3FC4] =	sst s2  }
0x8f: {  	_ = 	snop  }
0x90: {  	s2 =	sld [smem:$0x3FD0];
	(tm) =	ssettm $0x1  }
0x91: {  	s18 =	sld [smem:$0x3FFB];
	_ =	sdelay $0x3  }
0x92: {  	_ =	strace s18  }
0x93: {  	s3 =	sld [smem:$0x3FFC];
	_ =	sdelay $0x3  }
0x94: {  	_ =	strace s3  }
0x95: {  	s3 =	sld [smem:$0x3FFD];
	_ =	sdelay $0x3  }
0x96: {  	_ =	strace s3  }
0x97: {  	_ =	strace $0x8FFFFFFF  }
0x98: {  	s19 =	sld [smem:$0x3FDB];
	_ =	sdelay $0x1  }
0x99: {  	s4 =	simm.s32 $_scs_section_size  }
0x9a: {  	s5 =	simm.s32 $_size__tile_overlayer_lowered;
	s6 =	simm.s32 $_tile_overlayer_lowered  }
0x9b: {  	s22 =	simm.s32 $0x1BFF;
	s21 =	sshll.u32 s6, $0x1;
	s3 =	sadd.s32 s4, s19  }
0x9c: {  	s7 =	simm.s32 $0x0;
	s20 =	sshll.u32 s5, $0x1;
	s5 =	sadd.s32 s21, s3  }
0x9d: {  	[timem:s7], [sflag:s22] =	dma.local [hbm:s5], s20  }
0x9e: {  	_ =	swait.ge [sflag:s22], s20  }
0x9f: {  	s4 =	ssub.s32 $0x0, s20;
	[sflag:s22] =	ssyncset.done $0x0  }
0xa0: {  	[sflag:s22] =	ssyncadd.s32 s4;
	_ =	sdelay $0x1  }
0xa1: {  	s23 =	simm.s32 $0x1B8B  }
0xa2: {  	_ =	swait.ge [sflag:s23], $0x1  }
0xa3: {  	[sflag:s23] =	ssyncset.done $0x0  }
0xa4: {  	s25 =	simm.s32 $0x1B8E;
	s24 =	sld [smem:$0x3FFE];
	[sflag:s23] =	ssyncadd.s32 $0xFFFFFFFF  }
0xa5: {  	s26 =	simm.s32 $execute0_lowered;
	[smem:$0x3FD2] =	sst s25  }
0xa6: {  	s5 =	sshll.u32 s26, $0x1;
	_ =	strace $0x80000046;
	[dreg:$0x1] =	wrdreg $0xFFFFFFFF  }
0xa7: {  	s28 =	simm.s32 $_size_execute0_lowered;
	s3 =	sadd.s32 s3, s5;
	[dreg:$0x0] =	wrdreg $0x0  }
0xa8: {  	s5 =	sshll.u32 s28, $0x1;
	[dreg:$0x2] =	wrdreg s3  }
0xa9: {  	[dreg:$0x3] =	wrdreg s5  }
0xaa: {  	[dreg:$0x4] =	wrdreg $0xC0  }
0xab: {  	_ =	task [dreg:s7], $0x5FFFF  }
0xac: {  	[dreg:$0x1] =	wrdreg $0xFFFFFFFF  }
0xad: {  	[dreg:$0x0] =	wrdreg $0x60  }
0xae: {  	[dreg:$0x2] =	wrdreg s2  }
0xaf: {  	[dreg:$0x3] =	wrdreg s24  }
0xb0: {  	[dreg:$0x4] =	wrdreg $0x28800  }
0xb1: {  	[dreg:$0x5] =	wrdreg $0x9  }
0xb2: {  	_ =	task.clear_ibuf [dreg:s7], $0x6FFFF;
	_ =	strace $0x90000046  }
0xb3: {  	s29 =	simm.s32 $0x9;
	_ =	strace $0x80000048  }
0xb4: {  	_ =	swait.ge [sflag:s29], $0x1  }
0xb5: {  	[sflag:s29] =	ssyncadd.s32 $0xFFFFFFFF  }
0xb6: {  	_ =	strace $0x90000048  }
0xb7: {  	_ =	sfence  }
0xb8: {  	s30 =	sld [smem:$0x0];
	_ =	sdelay $0x2  }
0xb9: {  	s31 =	sshll.u32 s1, $0xD;
	s1 =	sshrl.u32 s1, $0x2  }
0xba: {  	s3 =	sand.u32 $0x4000, s31;
	s1 =	sadd.s32 s1, s30  }
0xbb: {  	s0 =	sor.u32 s3, s0;
	s1 =	sshll.u32 s1, $0x11  }
0xbc: {  	s0 =	sor.u32 s1, s0  }
0xbd: {  	s0 =	sadd.s32 $0x8F2B, s0  }
0xbe: {  	[sflag:s0] =	ssyncadd.remote.s32 $0x1  }
0xbf: {  	_ =	sfence.sel $0xFFFF  }
0xc0: {  	[dreg:$0x0] =	wrdreg $0xFFFFFFFF;
	(pc) =	sbr.abs _section_cstart, $3  }
0xc1: {  	[dreg:$0x1] =	wrdreg $0xFFFFFFFF  }
0xc2: {  	_ =	task.clear_ibuf [dreg:s7], $0x2FFFF;
	_ =	strace $0x9FFFFFFF  }
0xc3: {  	(tm) =	ssettm $0x7FFFFFFF  }
tec
execute0_lowered:
.L_overlay_start_1:
0x0: {  	(tag) =	ssettag $0x1  }
0x1: {  	s6 =	rddreg [dreg:$0x0]  }
0x2: {  	s7 =	rddreg [dreg:$0x1]  }
0x3: {  	s1 =	rddreg [dreg:$0x2]  }
0x4: {  	s0 =	rddreg [dreg:$0x3];
	s3 =	simm.s32 $0x0;
	s5 =	srdreg.scid  }
0x5: {  	s2 =	stileid.u32;
	s13 =	simm.s32 $0x7D;
	s14 =	simm.s32 $0x1  }
0x6: {  	s15 =	simm.s32 $0x20;
	s16 =	simm.s32 $0x10;
	s17 =	simm.s32 $0x0  }
0x7: {  	[smem:$0x7FF] =	sst s3;
	s4 =	sadd.s32 $0x1A00, s7;
	s9 =	smul.u32 $0x500, s2  }
0x8: {  	s8 =	sand.u32 $0x1, s5;
	s5 =	sadd.s32 $0x1C00, s7;
	s29 =	smul.u32 $0xA00, s2  }
0x9: {  	s31 =	sshll.u32 s2, $0x6;
	_ =	strace $0x80000047;
	s10 =	sshll.u32 s8, $0x7  }
0xa: {  	s11 =	sshll.u32 s8, $0x4;
	s8 =	ssub.s32 $0x2, s8;
	s9 =	sor.u32 s10, s9  }
0xb: {  	s28 =	sor.u32 s2, s11;
	s30 =	sshrl.u32 s8, $0x1;
	s11 =	sshrl.u32 s29, $0x2  }
0xc: {  	s9 =	sshrl.u32 s9, $0x3;
	s10 =	smul.u32 $0x500, s28;
	s8 =	ssub.s32 s8, s30  }
0xd: {  	s12 =	sadd.s32 s11, s1;
	s11 =	sor.u32 $0x1C02, s31;
	s7 =	sadd.s32 s9, s7  }
0xe: {  	s8 =	smax.u32 s8, $0x1;
	s9 =	simm.s32 $0x2;
	s12 =	sshrl.u32 s12, $0x3  }
0xf: {  	s6 =	sadd.s32 s6, s10;
	s7 =	sadd.s32 $0x1E00, s7;
	s10 =	simm.s32 $0x2800  }
.LBB2_1:
0x10: {  	[tilespmem:s3], [sflag:$0x2] =	stream.linear.gather [hbm4b:s6+s3], $0x2800, $0x38;
	[tilespmem:$0x2B00] =	vst v63  }
0x11: {  	_ =	swait.ge [sflag:s9], $0x2800  }
0x12: {  	[sflag:s9] =	ssyncset.done $0x0  }
0x13: {  	[sflag:s9] =	ssyncadd.s32 $0xFFFFD800  }
0x14: {  	[tilespmem:s10], [sflag:$0x2] =	stream.linear.gather [hbm4b:s4+s3], $0x80, $0x38;
	[tilespmem:$0x2B00] =	vst v63  }
0x15: {  	_ =	swait.ge [sflag:s9], $0x80  }
0x16: {  	[sflag:s9] =	ssyncset.done $0x0  }
0x17: {  	[sflag:s9] =	ssyncadd.s32 $0xFFFFFF80  }
0x18: {  	[spmem:s12], [sflag:s11] =	dma.local [hbm:s5], $0x50  }
0x19: {  	_ =	swait.ge [sflag:s9], $0x50  }
0x1a: {  	[sflag:s9] =	ssyncset.done $0x0  }
0x1b: {  	[sflag:s9] =	ssyncadd.s32 $0xFFFFFFB0  }
0x1c: {  	s18 =	simm.s32 $0x0;
	[bflag:$0x0] =	sbarrier.arrive $0xFFFF  }
.LBB2_2:
0x1d: {  	p0 =	sne.s32 s18, $0x9E00  }
.Ltmp0:
0x1e: {  	_ = 	snop;
	(pc) =	sbr.rel @p0 .LBB2_2-.Ltmp0, $3  }
0x1f: {  	_ =	sdelay $0x1  }
0x20: {  	s19 =	sshra.s32 s18, $0x2;
	s18 =	sadd.s32 $0x200, s18  }
0x21: {  	[spmem:s1] =	stream.indirect.scatter.add.f32 [tilespmem:s10], [sflag:$0x1], $0x1, s19, s13, $0xb8;
	[tilespmem:$0x2B00] =	vst v63  }
0x22: {  	_ =	swait.ge [sflag:s14], $0x7D  }
0x23: {  	s18 =	simm.s32 $0x4F;
	[sflag:s14] =	ssyncset.done $0x0  }
.LBB2_4:
0x24: {  	p0 =	sne.s32 s18, $0x1;
	s18 =	sadd.s32 $0xFFFFFFFF, s18;
	[sflag:s14] =	ssyncadd.s32 $0xFFFFFF83  }
.Ltmp1:
0x25: {  	(pc) =	sbr.rel @p0 .LBB2_4-.Ltmp1, $3  }
0x26: {  	_ =	sdelay $0x1  }
0x27: {  	_ =	swait.ge [sflag:s14], $0x7D  }
0x28: {  	[sflag:s14] =	ssyncset.done $0x0  }
0x29: {  	s17 =	sadd.s32 $0x1, s17  }
0x2a: {  	[sflag:s14] =	ssyncadd.s32 $0xFFFFFF83;
	p0 =	sne.s32 s17, s8  }
.Ltmp2:
0x2b: {  	[bflag:$0x0] =	sbarrier.arrive $0xFFFF;
	(pc) =	sbr.rel @p0 .LBB2_1-.Ltmp2, $4  }
0x2c: {  	[hbm:s7@s15], [sflag:s11] =	dma.strided [spmem:s12@s16], $0x50, s14, $0x10   }
0x2d: {  	_ =	swait.ge [sflag:s9], $0x50  }
0x2e: {  	[sflag:s9] =	ssyncset.done $0x0  }
0x2f: {  	[sflag:s9] =	ssyncadd.s32 $0xFFFFFFB0  }
0x30: {  	_ =	sfence.sel $0x180000  }
0x31: {  	[bflag:$0x0] =	sbarrier.arrive $0xFFFF  }
0x32: {  	p0 =	sne.s32 s2, $0x0;
	_ =	strace $0x90000047  }
0x33: {  	s0 =	sadd.s32 @!p0 $0x100000, s0;
	[bflag:$0x2] =	sbarrier.arrive $0xFFFF  }
0x34: {  	[sflag:s0] =	ssyncadd.tile.s32 @!p0 $0x1;
	_ =	shalt  }
.Lfunc_end2:
_tile_overlayer_lowered:
.L_overlay_start_2:
0x35: {  	(tag) =	ssettag $0x2  }
0x36: {  	s0 =	rddreg [dreg:$0x0];
	s2 =	stileid.u32  }
0x37: {  	s1 =	rddreg [dreg:$0x1];
	p0 =	sne.s32 s2, $0x0  }
0x38: {  	s3 =	rddreg [dreg:$0x2];
	[bflag:$0x3] =	sbarrier.arrive $0xFFFF;
	s2 =	simm.s32 @!p0 $0x1C02  }
0x39: {  	[timem:s3], [sflag:s2] =	dma.local @!p0 [hbm:s0], s1  }
0x3a: {  	s0 =	simm.s32 @!p0 $0x2  }
0x3b: {  	_ =	swait.ge @!p0 [sflag:s0], s1  }
0x3c: {  	s1 =	ssub.s32 @!p0 $0x0, s1;
	[sflag:s0] =	ssyncset.done @!p0 $0x0  }
0x3d: {  	[sflag:s0] =	ssyncadd.s32 @!p0 s1  }
0x3e: {  	[bflag:$0x3] =	sbarrier.arrive $0xFFFF  }
0x3f: {  	_ =	shalt  }

// kernel: kernel.9.cloned.1.call-start
scs
__scs_entry_jumppad:
0x0: {  	(pc) =	sbr.rel $0x88, $3  }
0x1: {  	(tag) =	ssettag $0x0;
	lr =	simm.s32 $0x1  }
0x2: {  	[smem:$0x3F9D] =	sst lr;
	_ =	strace $0xD0000000  }
0x3: {  	_ = 	snop  }
0x4: {  	_ = 	snop  }
0x5: {  	_ = 	snop  }
0x6: {  	_ = 	snop  }
0x7: {  	_ = 	snop  }
__scs_overlays_trampoline_lowered:
0x8: {  	[smem:$0x3FAC] =	sst s0  }
0x9: {  	[smem:$0x3FAD] =	sst s1  }
0xa: {  	[smem:$0x3FAE] =	sst s2  }
0xb: {  	[smem:$0x3FAF] =	sst s3  }
0xc: {  	[smem:$0x3FB0] =	sst s4  }
0xd: {  	[smem:$0x3FB1] =	sst s5  }
0xe: {  	[smem:$0x3FB2] =	sst s6  }
0xf: {  	[smem:$0x3FB3] =	sst s7  }
0x10: {  	[smem:$0x3FB4] =	sst s8  }
0x11: {  	[smem:$0x3FB5] =	sst s9;
	s0 =	simm.s32 @!p0 $0x0  }
0x12: {  	s1 =	sld [smem:$0x3F9B];
	s0 =	simm.s32 @p0 $0x1  }
0x13: {  	[smem:$0x3FB6] =	sst s0;
	s0 =	simm.s32 @!p1 $0x0  }
0x14: {  	s2 =	sld [smem:$0x3F9A];
	s0 =	simm.s32 @p1 $0x1  }
0x15: {  	[smem:$0x3FB7] =	sst s0;
	s0 =	simm.s32 @!p2 $0x0  }
0x16: {  	s3 =	sld [smem:$0x3FDB];
	s0 =	simm.s32 @p2 $0x1  }
0x17: {  	s4 =	simm.s32 $0x1BF5;
	[smem:$0x3FB9] =	sst s0  }
0x18: {  	s0 =	sld [smem:$0x3F9C];
	_ =	swait.ge [sflag:s4], $0x0  }
0x19: {  	s7 =	sld [smem:$0x3F9D]  }
0x1a: {  	s8 =	sadd.s32 $0xFFFFE003, lr  }
0x1b: {  	s9 =	sadd.s32 $0xFFFFFEF7, lr;
	s5 =	simm.s32 $0xFFFFFFFF;
	p2 =	slt.u32 s8, $0xFFFFF086  }
0x1c: {  	p1 =	slt.u32 s9, $0xF7A;
	s5 =	simm.s32 @!p2 $0x0  }
0x1d: {  	s5 =	simm.s32 @p1 $0x1;
	p0 =	seq.s32 s7, s2  }
0x1e: {  	s7 =	smul.u32 @!p0 $0xF7A, s2;
	p2 =	seq.s32 @!p0 s5, $0x0  }
0x1f: {  	s9 =	smul.u32 $0xF7A, s1;
	s8 =	simm.s32 @!p0 $0x1BF5;
	p2 =	por !p2, p0  }
0x20: {  	[sflag:s8] =	ssyncset.s32 @!p0 $0xFFFFF086;
	s6 =	sadd.s32 @!p0 s3, s7;
	s7 =	simm.s32 @!p0 $0x108  }
0x21: {  	s3 =	sadd.s32 s3, s9;
	s6 =	sadd.s32 @!p0 $0x88, s6;
	s7 =	simm.s32 @p2 $0x1082  }
0x22: {  	[simem:s7], [sflag:s8] =	dma.local @!p0 [hbm:s6], $0xF7A  }
0x23: {  	s9 =	sor.u32 $0xD0000000, s2;
	s6 =	simm.s32 $0x108;
	_ =	swait.ge @!p0 [sflag:s8], $0x0  }
0x24: {  	s3 =	sadd.s32 $0x88, s3;
	s6 =	simm.s32 @!p1 $0x1082;
	[sflag:s4] =	ssyncset.s32 $0xFFFFF086  }
0x25: {  	[simem:s6], [sflag:s4] =	dma.local [hbm:s3], $0xF7A  }
0x26: {  	[smem:$0x3F9D] =	sst s1;
	(tag) =	ssettag s2;
	_ =	strace s9  }
0x27: {  	s1 =	sld [smem:$0x3FAD]  }
0x28: {  	s2 =	sld [smem:$0x3FAE]  }
0x29: {  	s4 =	sld [smem:$0x3FB0]  }
0x2a: {  	p0 =	seq.s32 s5, $0x0;
	s5 =	sld [smem:$0x3FB1]  }
0x2b: {  	s6 =	sld [smem:$0x3FB2]  }
0x2c: {  	s7 =	sld [smem:$0x3FB3]  }
0x2d: {  	s3 =	simm.s32 $0x108;
	s8 =	sld [smem:$0x3FB4]  }
0x2e: {  	s3 =	simm.s32 @!p0 $0x1082;
	s9 =	sld [smem:$0x3FB5]  }
0x2f: {  	lr =	sadd.s32 s0, s3;
	s0 =	sld [smem:$0x3FAC]  }
0x30: {  	s3 =	sld [smem:$0x3FAF]  }
0x31: {  	[smem:$0x3FB8] =	sst s10  }
0x32: {  	s10 =	sld [smem:$0x3FB6];
	_ =	sdelay $0x3  }
0x33: {  	p0 =	seq.s32 s10, $0x1;
	s10 =	sld [smem:$0x3FB8];
	_ =	sdelay $0x3  }
0x34: {  	[smem:$0x3FB8] =	sst s10  }
0x35: {  	s10 =	sld [smem:$0x3FB7];
	_ =	sdelay $0x3  }
0x36: {  	p1 =	seq.s32 s10, $0x1;
	s10 =	sld [smem:$0x3FB8];
	_ =	sdelay $0x3  }
0x37: {  	[smem:$0x3FB8] =	sst s10  }
0x38: {  	s10 =	sld [smem:$0x3FB9]  }
0x39: {  	_ = 	snop;
	(pc) =	sbr.ind lr, $3  }
0x3a: {  	_ = 	snop  }
0x3b: {  	_ = 	snop  }
0x3c: {  	p2 =	seq.s32 s10, $0x1;
	s10 =	sld [smem:$0x3FB8]  }
0x3d: {  	_ =	shalt  }
0x3e: {  	_ =	shalt  }
0x3f: {  	_ =	shalt  }
0x40: {  	_ =	shalt  }
0x41: {  	_ =	shalt  }
0x42: {  	_ =	shalt  }
0x43: {  	_ =	shalt  }
0x44: {  	_ =	shalt  }
0x45: {  	_ =	shalt  }
0x46: {  	_ =	shalt  }
0x47: {  	_ =	shalt  }
0x48: {  	_ =	shalt  }
0x49: {  	_ =	shalt  }
0x4a: {  	_ =	shalt  }
0x4b: {  	_ =	shalt  }
0x4c: {  	_ =	shalt  }
0x4d: {  	_ =	shalt  }
0x4e: {  	_ =	shalt  }
0x4f: {  	_ =	shalt  }
0x50: {  	_ =	shalt  }
0x51: {  	_ =	shalt  }
0x52: {  	_ =	shalt  }
0x53: {  	_ =	shalt  }
0x54: {  	_ =	shalt  }
0x55: {  	_ =	shalt  }
0x56: {  	_ =	shalt  }
0x57: {  	_ =	shalt  }
0x58: {  	_ =	shalt  }
0x59: {  	_ =	shalt  }
0x5a: {  	_ =	shalt  }
0x5b: {  	_ =	shalt  }
0x5c: {  	_ =	shalt  }
0x5d: {  	_ =	shalt  }
0x5e: {  	_ =	shalt  }
0x5f: {  	_ =	shalt  }
0x60: {  	_ =	shalt  }
0x61: {  	_ =	shalt  }
0x62: {  	_ =	shalt  }
0x63: {  	_ =	shalt  }
0x64: {  	_ =	shalt  }
0x65: {  	_ =	shalt  }
0x66: {  	_ =	shalt  }
0x67: {  	_ =	shalt  }
0x68: {  	_ =	shalt  }
0x69: {  	_ =	shalt  }
0x6a: {  	_ =	shalt  }
0x6b: {  	_ =	shalt  }
0x6c: {  	_ =	shalt  }
0x6d: {  	_ =	shalt  }
0x6e: {  	_ =	shalt  }
0x6f: {  	_ =	shalt  }
0x70: {  	_ =	shalt  }
0x71: {  	_ =	shalt  }
0x72: {  	_ =	shalt  }
0x73: {  	_ =	shalt  }
0x74: {  	_ =	shalt  }
0x75: {  	_ =	shalt  }
0x76: {  	_ =	shalt  }
0x77: {  	_ =	shalt  }
0x78: {  	_ =	shalt  }
0x79: {  	_ =	shalt  }
0x7a: {  	_ =	shalt  }
0x7b: {  	_ =	shalt  }
0x7c: {  	_ =	shalt  }
0x7d: {  	_ =	shalt  }
0x7e: {  	_ =	shalt  }
0x7f: {  	_ =	shalt  }
0x80: {  	_ =	shalt  }
0x81: {  	_ =	shalt  }
0x82: {  	_ =	shalt  }
0x83: {  	_ =	shalt  }
0x84: {  	_ =	shalt  }
0x85: {  	_ =	shalt  }
0x86: {  	_ =	shalt  }
0x87: {  	_ =	shalt  }
.Lfunc_end0:
.L_simem_size_0:
called_computation.1_lowered:
.L_overlay_start_0:
0x88: {  	s2 =	sld [smem:$0x3FD9]  }
0x89: {  	s3 =	sld [smem:$0x3FFE];
	_ =	sdelay $0x1  }
0x8a: {  	s1 =	srdreg.scid  }
0x8b: {  	s0 =	sand.u32 $0x1, s1  }
0x8c: {  	s17 =	sshll.u32 s0, $0xA;
	s2 =	sadd.s32 s3, s2  }
0x8d: {  	s2 =	sadd.s32 s2, s17  }
0x8e: {  	[smem:$0x3FC4] =	sst s2  }
0x8f: {  	_ = 	snop  }
0x90: {  	s2 =	sld [smem:$0x3FD0];
	(tm) =	ssettm $0x1  }
0x91: {  	s18 =	sld [smem:$0x3FFB];
	_ =	sdelay $0x3  }
0x92: {  	_ =	strace s18  }
0x93: {  	s3 =	sld [smem:$0x3FFC];
	_ =	sdelay $0x3  }
0x94: {  	_ =	strace s3  }
0x95: {  	s3 =	sld [smem:$0x3FFD];
	_ =	sdelay $0x3  }
0x96: {  	_ =	strace s3  }
0x97: {  	_ =	strace $0x8FFFFFFF  }
0x98: {  	s19 =	sld [smem:$0x3FDB];
	_ =	sdelay $0x1  }
0x99: {  	s4 =	simm.s32 $_scs_section_size  }
0x9a: {  	s5 =	simm.s32 $_size__tile_overlayer_lowered;
	s6 =	simm.s32 $_tile_overlayer_lowered  }
0x9b: {  	s22 =	simm.s32 $0x1BFF;
	s21 =	sshll.u32 s6, $0x1;
	s3 =	sadd.s32 s4, s19  }
0x9c: {  	s7 =	simm.s32 $0x0;
	s20 =	sshll.u32 s5, $0x1;
	s5 =	sadd.s32 s21, s3  }
0x9d: {  	[timem:s7], [sflag:s22] =	dma.local [hbm:s5], s20  }
0x9e: {  	_ =	swait.ge [sflag:s22], s20  }
0x9f: {  	s4 =	ssub.s32 $0x0, s20;
	[sflag:s22] =	ssyncset.done $0x0  }
0xa0: {  	[sflag:s22] =	ssyncadd.s32 s4;
	_ =	sdelay $0x1  }
0xa1: {  	s23 =	simm.s32 $0x1B8B  }
0xa2: {  	_ =	swait.ge [sflag:s23], $0x1  }
0xa3: {  	[sflag:s23] =	ssyncset.done $0x0  }
0xa4: {  	s25 =	simm.s32 $0x1B8E;
	s24 =	sld [smem:$0x3FFE];
	[sflag:s23] =	ssyncadd.s32 $0xFFFFFFFF  }
0xa5: {  	s26 =	simm.s32 $execute0_lowered;
	[smem:$0x3FD2] =	sst s25  }
0xa6: {  	s5 =	sshll.u32 s26, $0x1;
	_ =	strace $0x80000049;
	[dreg:$0x1] =	wrdreg $0xFFFFFFFF  }
0xa7: {  	s28 =	simm.s32 $_size_execute0_lowered;
	s3 =	sadd.s32 s3, s5;
	[dreg:$0x0] =	wrdreg $0x0  }
0xa8: {  	s5 =	sshll.u32 s28, $0x1;
	[dreg:$0x2] =	wrdreg s3  }
0xa9: {  	[dreg:$0x3] =	wrdreg s5  }
0xaa: {  	[dreg:$0x4] =	wrdreg $0xC0  }
0xab: {  	_ =	task [dreg:s7], $0x5FFFF  }
0xac: {  	[dreg:$0x1] =	wrdreg $0xFFFFFFFF  }
0xad: {  	[dreg:$0x0] =	wrdreg $0x60  }
0xae: {  	[dreg:$0x2] =	wrdreg s24  }
0xaf: {  	[dreg:$0x3] =	wrdreg s2  }
0xb0: {  	[dreg:$0x4] =	wrdreg $0xA9000  }
0xb1: {  	[dreg:$0x5] =	wrdreg $0x9  }
0xb2: {  	_ =	task.clear_ibuf [dreg:s7], $0x6FFFF;
	_ =	strace $0x90000049  }
0xb3: {  	s29 =	simm.s32 $0x9;
	_ =	strace $0x8000004B  }
0xb4: {  	_ =	swait.ge [sflag:s29], $0x1  }
0xb5: {  	[sflag:s29] =	ssyncadd.s32 $0xFFFFFFFF  }
0xb6: {  	_ =	strace $0x9000004B  }
0xb7: {  	_ =	sfence  }
0xb8: {  	s30 =	sld [smem:$0x0];
	_ =	sdelay $0x2  }
0xb9: {  	s31 =	sshll.u32 s1, $0xD;
	s1 =	sshrl.u32 s1, $0x2  }
0xba: {  	s3 =	sand.u32 $0x4000, s31;
	s1 =	sadd.s32 s1, s30  }
0xbb: {  	s0 =	sor.u32 s3, s0;
	s1 =	sshll.u32 s1, $0x11  }
0xbc: {  	s0 =	sor.u32 s1, s0  }
0xbd: {  	s0 =	sadd.s32 $0x8F2B, s0  }
0xbe: {  	[sflag:s0] =	ssyncadd.remote.s32 $0x1  }
0xbf: {  	_ =	sfence.sel $0xFFFF  }
0xc0: {  	[dreg:$0x0] =	wrdreg $0xFFFFFFFF;
	(pc) =	sbr.abs _section_cstart, $3  }
0xc1: {  	[dreg:$0x1] =	wrdreg $0xFFFFFFFF  }
0xc2: {  	_ =	task.clear_ibuf [dreg:s7], $0x2FFFF;
	_ =	strace $0x9FFFFFFF  }
0xc3: {  	(tm) =	ssettm $0x7FFFFFFF  }
tec
execute0_lowered:
.L_overlay_start_1:
0x0: {  	(tag) =	ssettag $0x1  }
0x1: {  	s6 =	rddreg [dreg:$0x0]  }
0x2: {  	s0 =	srdreg.scid;
	s2 =	rddreg [dreg:$0x1]  }
0x3: {  	s3 =	rddreg [dreg:$0x2];
	s4 =	simm.s32 $0x0;
	s17 =	simm.s32 $0xA800  }
0x4: {  	s18 =	simm.s32 $0x7D;
	s19 =	simm.s32 $0xA880;
	s20 =	simm.s32 $0x8080  }
0x5: {  	s21 =	simm.s32 $0x4000;
	s22 =	simm.s32 $0x1;
	s7 =	sand.u32 $0x1, s0  }
0x6: {  	s23 =	simm.s32 $0x3;
	s0 =	stileid.u32;
	s9 =	smul.u32 $0x140000, s7  }
0x7: {  	s24 =	simm.s32 $0x2;
	s25 =	simm.s32 $0x4;
	s10 =	smul.u32 $0x14000, s0  }
0x8: {  	[smem:$0x7FF] =	sst s4;
	s15 =	sadd.s32 $0x2800, s6;
	s12 =	smul.u32 $0x50000, s0  }
0x9: {  	s1 =	sshll.u32 s7, $0x4;
	s26 =	ssub.s32 $0x2, s7;
	s7 =	smul.u32 $0x500, s7  }
0xa: {  	s14 =	smul.u32 $0x50, s0;
	s31 =	sshll.u32 s0, $0x6;
	s5 =	sor.u32 s0, s1  }
0xb: {  	s1 =	rddreg [dreg:$0x3];
	_ =	strace $0x8000004A;
	s13 =	sshrl.u32 s26, $0x1  }
0xc: {  	s8 =	smul.u32 $0x500, s5;
	s5 =	sadd.s32 $0x16800, s6;
	s9 =	sadd.s32 s10, s9  }
0xd: {  	s10 =	ssub.s32 s26, s13;
	s28 =	sshrl.u32 s12, $0x2;
	s29 =	sadd.s32 s14, s7  }
0xe: {  	s13 =	simm.s32 $0x8000;
	s14 =	simm.s32 $0x5;
	s26 =	simm.s32 $0x0  }
0xf: {  	s9 =	sshrl.u32 s9, $0x3;
	s16 =	sadd.s32 s28, s3;
	s30 =	sshll.u32 s29, $0x4  }
0x10: {  	s10 =	smax.u32 s10, $0x1;
	s11 =	sadd.s32 s8, s6;
	s9 =	sadd.s32 s9, s6  }
0x11: {  	s7 =	sadd.s32 s15, s8;
	s12 =	sadd.s32 s30, s15;
	s15 =	sor.u32 $0x1C05, s31  }
0x12: {  	s16 =	sshrl.u32 s16, $0x3;
	s6 =	sadd.s32 $0xC800, s11;
	s8 =	sadd.s32 $0x10, s7  }
0x13: {  	s9 =	sadd.s32 $0x3E800, s9;
	s11 =	sadd.s32 $0x20, s12;
	s12 =	sadd.s32 $0x30, s12  }
.LBB2_1:
0x14: {  	[tilespmem:s13], [sflag:$0x5] =	stream.linear.gather [hbm4b:s6+s4], $0x2800, $0x38;
	[tilespmem:$0x1E900] =	vst v63  }
0x15: {  	_ =	swait.ge [sflag:s14], $0x2800  }
0x16: {  	[sflag:s14] =	ssyncset.done $0x0  }
0x17: {  	[sflag:s14] =	ssyncadd.s32 $0xFFFFD800  }
0x18: {  	[spmem:s16], [sflag:s15] =	dma.local [hbm:s2], $0x2800  }
0x19: {  	_ =	swait.ge [sflag:s14], $0x2800  }
0x1a: {  	[sflag:s14] =	ssyncset.done $0x0  }
0x1b: {  	[sflag:s14] =	ssyncadd.s32 $0xFFFFD800  }
0x1c: {  	[bflag:$0x0] =	sbarrier.arrive $0xFFFF  }
0x1d: {  	[tilespmem:s17], [sflag:$0x3] =	stream.linear.gather [hbm4b:s7+s4], $0x80, $0x38;
	[tilespmem:$0x1E900] =	vst v63  }
0x1e: {  	_ = 	snop  }
0x1f: {  	[tilespmem:s4], [sflag:$0x1] =	stream.indirect.gather [hbm4b:s5+s18], $0x80, s13, s18, $0xb8;
	[tilespmem:$0x1E900] =	vst v63  }
0x20: {  	_ = 	snop  }
0x21: {  	[tilespmem:s19], [sflag:$0x4] =	stream.linear.gather [hbm4b:s8+s4], $0x80, $0x38;
	[tilespmem:$0x1E900] =	vst v63  }
0x22: {  	_ = 	snop  }
0x23: {  	[tilespmem:s21], [sflag:$0x2] =	stream.indirect.gather [hbm4b:s5+s18], $0x80, s20, s18, $0xb8;
	[tilespmem:$0x1E900] =	vst v63  }
0x24: {  	_ =	swait.ge [sflag:s22], $0x3E80  }
0x25: {  	[sflag:s22] =	ssyncset.done $0x0  }
0x26: {  	[sflag:s22] =	ssyncadd.s32 $0xFFFFC180  }
0x27: {  	_ =	swait.ge [sflag:s23], $0x80  }
0x28: {  	[sflag:s23] =	ssyncset.done $0x0  }
0x29: {  	[sflag:s23] =	ssyncadd.s32 $0xFFFFFF80  }
0x2a: {  	[spmem:s3] =	stream.indirect.scatter.add.f32 [tilespmem:s4], [sflag:$0x5], $0x80, s17, s18, $0xb8;
	[tilespmem:$0x1E900] =	vst v63  }
0x2b: {  	_ =	swait.ge [sflag:s14], $0x3E80  }
0x2c: {  	[sflag:s14] =	ssyncset.done $0x0  }
0x2d: {  	s28 =	sadd.s32 $0x0, s11;
	[sflag:s14] =	ssyncadd.s32 $0xFFFFC180  }
0x2e: {  	[tilespmem:s17], [sflag:$0x3] =	stream.linear.gather [hbm4b:s28+s4], $0x80, $0x38;
	[tilespmem:$0x1E900] =	vst v63  }
0x2f: {  	s28 =	simm.s32 $0x8100  }
0x30: {  	[tilespmem:s4], [sflag:$0x1] =	stream.indirect.gather [hbm4b:s5+s18], $0x80, s28, s18, $0xb8;
	[tilespmem:$0x1E900] =	vst v63  }
0x31: {  	_ =	swait.ge [sflag:s24], $0x3E80  }
0x32: {  	[sflag:s24] =	ssyncset.done $0x0  }
0x33: {  	[sflag:s24] =	ssyncadd.s32 $0xFFFFC180  }
0x34: {  	_ =	swait.ge [sflag:s25], $0x80  }
0x35: {  	[sflag:s25] =	ssyncset.done $0x0  }
0x36: {  	[sflag:s25] =	ssyncadd.s32 $0xFFFFFF80  }
0x37: {  	[spmem:s3] =	stream.indirect.scatter.add.f32 [tilespmem:s21], [sflag:$0x5], $0x80, s19, s18, $0xb8;
	[tilespmem:$0x1E900] =	vst v63  }
0x38: {  	_ =	swait.ge [sflag:s14], $0x3E80  }
0x39: {  	[sflag:s14] =	ssyncset.done $0x0  }
0x3a: {  	s28 =	sadd.s32 $0x0, s12;
	[sflag:s14] =	ssyncadd.s32 $0xFFFFC180  }
0x3b: {  	[tilespmem:s19], [sflag:$0x4] =	stream.linear.gather [hbm4b:s28+s4], $0x80, $0x38;
	[tilespmem:$0x1E900] =	vst v63  }
0x3c: {  	s30 =	simm.s32 $0x8180;
	s29 =	simm.s32 $0x8200;
	s28 =	simm.s32 $0x20  }
.LBB2_2:
0x3d: {  	[tilespmem:s21], [sflag:$0x2] =	stream.indirect.gather [hbm4b:s5+s18], $0x80, s30, s18, $0xb8;
	[tilespmem:$0x1E900] =	vst v63  }
0x3e: {  	s30 =	smov.u32 s28  }
0x3f: {  	p0 =	sne.s32 s28, $0x4C0;
	s28 =	sadd.s32 $0x20, s28;
	_ =	swait.ge [sflag:s22], $0x3E80  }
0x40: {  	[sflag:s22] =	ssyncset.done $0x0  }
0x41: {  	[sflag:s22] =	ssyncadd.s32 $0xFFFFC180  }
0x42: {  	_ =	swait.ge [sflag:s23], $0x80  }
0x43: {  	[sflag:s23] =	ssyncset.done $0x0  }
0x44: {  	[sflag:s23] =	ssyncadd.s32 $0xFFFFFF80  }
0x45: {  	[spmem:s3] =	stream.indirect.scatter.add.f32 [tilespmem:s4], [sflag:$0x5], $0x80, s17, s18, $0xb8;
	[tilespmem:$0x1E900] =	vst v63  }
0x46: {  	_ =	swait.ge [sflag:s14], $0x3E80  }
0x47: {  	[sflag:s14] =	ssyncset.done $0x0  }
0x48: {  	s31 =	sadd.s32 s30, s11;
	[sflag:s14] =	ssyncadd.s32 $0xFFFFC180  }
0x49: {  	[tilespmem:s17], [sflag:$0x3] =	stream.linear.gather [hbm4b:s31+s4], $0x80, $0x38;
	[tilespmem:$0x1E900] =	vst v63  }
0x4a: {  	_ = 	snop  }
0x4b: {  	[tilespmem:s4], [sflag:$0x1] =	stream.indirect.gather [hbm4b:s5+s18], $0x80, s29, s18, $0xb8;
	[tilespmem:$0x1E900] =	vst v63  }
0x4c: {  	_ =	swait.ge [sflag:s24], $0x3E80  }
0x4d: {  	[sflag:s24] =	ssyncset.done $0x0  }
0x4e: {  	[sflag:s24] =	ssyncadd.s32 $0xFFFFC180  }
0x4f: {  	_ =	swait.ge [sflag:s25], $0x80  }
0x50: {  	[sflag:s25] =	ssyncset.done $0x0  }
0x51: {  	[sflag:s25] =	ssyncadd.s32 $0xFFFFFF80  }
0x52: {  	[spmem:s3] =	stream.indirect.scatter.add.f32 [tilespmem:s21], [sflag:$0x5], $0x80, s19, s18, $0xb8;
	[tilespmem:$0x1E900] =	vst v63  }
.Ltmp0:
0x53: {  	_ =	swait.ge [sflag:s14], $0x3E80;
	(pc) =	sbr.rel @p0 .LBB2_2-.Ltmp0, $4  }
0x54: {  	[sflag:s14] =	ssyncset.done $0x0  }
0x55: {  	s30 =	sadd.s32 s30, s12;
	[sflag:s14] =	ssyncadd.s32 $0xFFFFC180  }
0x56: {  	[tilespmem:s19], [sflag:$0x4] =	stream.linear.gather [hbm4b:s30+s4], $0x80, $0x38;
	[tilespmem:$0x1E900] =	vst v63  }
0x57: {  	s30 =	sadd.s32 $0x80, s29;
	s29 =	sadd.s32 $0x100, s29  }
0x58: {  	[tilespmem:s21], [sflag:$0x2] =	stream.indirect.gather [hbm4b:s5+s18], $0x80, s30, s18, $0xb8;
	[tilespmem:$0x1E900] =	vst v63  }
0x59: {  	_ =	swait.ge [sflag:s22], $0x3E80  }
0x5a: {  	[sflag:s22] =	ssyncset.done $0x0  }
0x5b: {  	[sflag:s22] =	ssyncadd.s32 $0xFFFFC180  }
0x5c: {  	_ =	swait.ge [sflag:s23], $0x80  }
0x5d: {  	[sflag:s23] =	ssyncset.done $0x0  }
0x5e: {  	[sflag:s23] =	ssyncadd.s32 $0xFFFFFF80  }
0x5f: {  	[spmem:s3] =	stream.indirect.scatter.add.f32 [tilespmem:s4], [sflag:$0x5], $0x80, s17, s18, $0xb8;
	[tilespmem:$0x1E900] =	vst v63  }
0x60: {  	_ =	swait.ge [sflag:s14], $0x3E80  }
0x61: {  	[sflag:s14] =	ssyncset.done $0x0  }
0x62: {  	[sflag:s14] =	ssyncadd.s32 $0xFFFFC180  }
0x63: {  	_ =	swait.ge [sflag:s24], $0x3E80  }
0x64: {  	[sflag:s24] =	ssyncset.done $0x0  }
0x65: {  	[sflag:s24] =	ssyncadd.s32 $0xFFFFC180  }
0x66: {  	_ =	swait.ge [sflag:s25], $0x80  }
0x67: {  	[sflag:s25] =	ssyncset.done $0x0  }
0x68: {  	[sflag:s25] =	ssyncadd.s32 $0xFFFFFF80  }
0x69: {  	[spmem:s3] =	stream.indirect.scatter.add.f32 [tilespmem:s21], [sflag:$0x5], $0x80, s19, s18, $0xb8;
	[tilespmem:$0x1E900] =	vst v63  }
0x6a: {  	_ =	swait.ge [sflag:s14], $0x3E80  }
0x6b: {  	s26 =	sadd.s32 $0x1, s26;
	[sflag:s14] =	ssyncset.done $0x0  }
0x6c: {  	p0 =	sne.s32 s26, s10;
	[sflag:s14] =	ssyncadd.s32 $0xFFFFC180  }
.Ltmp1:
0x6d: {  	[bflag:$0x0] =	sbarrier.arrive $0xFFFF;
	(pc) =	sbr.rel @p0 .LBB2_1-.Ltmp1, $4  }
0x6e: {  	[hbm:s9], [sflag:s15] =	dma.local [spmem:s16], $0x2800  }
0x6f: {  	_ =	swait.ge [sflag:s14], $0x2800  }
0x70: {  	[sflag:s14] =	ssyncset.done $0x0  }
0x71: {  	[sflag:s14] =	ssyncadd.s32 $0xFFFFD800  }
0x72: {  	_ =	sfence.sel $0x180000  }
0x73: {  	[bflag:$0x0] =	sbarrier.arrive $0xFFFF  }
0x74: {  	p0 =	sne.s32 s0, $0x0;
	_ =	strace $0x9000004A  }
0x75: {  	s0 =	sadd.s32 @!p0 $0x100000, s1;
	[bflag:$0x2] =	sbarrier.arrive $0xFFFF  }
0x76: {  	[sflag:s0] =	ssyncadd.tile.s32 @!p0 $0x1;
	_ =	shalt  }
.Lfunc_end2:
_tile_overlayer_lowered:
.L_overlay_start_2:
0x77: {  	(tag) =	ssettag $0x2  }
0x78: {  	s0 =	rddreg [dreg:$0x0];
	s2 =	stileid.u32  }
0x79: {  	s1 =	rddreg [dreg:$0x1];
	p0 =	sne.s32 s2, $0x0  }
0x7a: {  	s3 =	rddreg [dreg:$0x2];
	[bflag:$0x3] =	sbarrier.arrive $0xFFFF;
	s2 =	simm.s32 @!p0 $0x1C05  }
0x7b: {  	[timem:s3], [sflag:s2] =	dma.local @!p0 [hbm:s0], s1  }
0x7c: {  	s0 =	simm.s32 @!p0 $0x5  }
0x7d: {  	_ =	swait.ge @!p0 [sflag:s0], s1  }
0x7e: {  	s1 =	ssub.s32 @!p0 $0x0, s1;
	[sflag:s0] =	ssyncset.done @!p0 $0x0  }
0x7f: {  	[sflag:s0] =	ssyncadd.s32 @!p0 s1  }
0x80: {  	[bflag:$0x3] =	sbarrier.arrive $0xFFFF  }
0x81: {  	_ =	shalt  }

</sc_bundles>
